<compile_context>
chip_gen: v7x
topology: tpu7x:2x2x1
jax: 0.10.2.dev20260603
libtpu: 0.0.44.dev20260713+nightly
codegen_flags: <defaults>
</compile_context>

<pallas_src>
import functools

import jax
import jax.numpy as jnp
from jax import lax
from jax.experimental import pallas as pl
from jax.experimental.pallas import tpu as pltpu
from jax.experimental.pallas import tpu_sc as plsc

EMB_DIM = 64
NEG = 20
T = NEG + 1
LANES = 16
NC, NS = 2, 16
NW = NC * NS
C = 16
GB = 128
VBLK = 8192


def _lane_permute(x, idx):
    return lax.gather(
        x, idx[:, None],
        dimension_numbers=lax.GatherDimensionNumbers(
            offset_dims=(), collapsed_slice_dims=(0,), start_index_map=(0,)),
        slice_sizes=(1,),
        mode=lax.GatherScatterMode.PROMISE_IN_BOUNDS)


def _pack_index(r):
    return (r >> 13) * (VBLK // 2) + (r & (VBLK // 2 - 1))


def _compact2(ut, vt):
    rows = ut.shape[1]
    grid1 = pl.cdiv(rows, VBLK)

    def body(u_ref, v_ref, uo_ref, vo_ref):
        g = pl.program_id(0)

        def write(src, dst):
            dst[:, 0:EMB_DIM] = src[:, 0:VBLK // 2].T
            dst[:, EMB_DIM:2 * EMB_DIM] = src[:, VBLK // 2:VBLK].T

        @pl.when(g < grid1)
        def _():
            write(u_ref[...], uo_ref)

        @pl.when(g >= grid1)
        def _():
            write(v_ref[...], vo_ref)

    oshape = jax.ShapeDtypeStruct((grid1 * (VBLK // 2), 2 * EMB_DIM),
                                  jnp.float32)
    return pl.pallas_call(
        body,
        grid=(2 * grid1,),
        in_specs=[
            pl.BlockSpec((EMB_DIM, VBLK),
                         lambda g: (0, jnp.minimum(g, grid1 - 1))),
            pl.BlockSpec((EMB_DIM, VBLK),
                         lambda g: (0, jnp.maximum(g - grid1, 0))),
        ],
        out_specs=[
            pl.BlockSpec((VBLK // 2, 2 * EMB_DIM),
                         lambda g: (jnp.minimum(g, grid1 - 1), 0)),
            pl.BlockSpec((VBLK // 2, 2 * EMB_DIM),
                         lambda g: (jnp.maximum(g - grid1, 0), 0)),
        ],
        out_shape=[oshape, oshape],
    )(ut, vt)


def _sc_scores(pu_raw, pu_pack, t_raw, t_pack, uc, vc, B):
    PW = B // NW
    NCHUNK = PW // C
    CT = C * T

    mesh = plsc.VectorSubcoreMesh(core_axis_name="c", subcore_axis_name="s")

    @functools.partial(
        pl.kernel,
        out_type=jax.ShapeDtypeStruct((B * T,), jnp.float32),
        mesh=mesh,
        scratch_types=[
            pltpu.VMEM((PW,), jnp.int32),
            pltpu.VMEM((PW,), jnp.int32),
            pltpu.VMEM((PW * T,), jnp.int32),
            pltpu.VMEM((PW * T,), jnp.int32),
            pltpu.VMEM((2, C, 2 * EMB_DIM), jnp.float32),
            pltpu.VMEM((2, CT, 2 * EMB_DIM), jnp.float32),
            pltpu.VMEM((CT,), jnp.float32),
            pltpu.SemaphoreType.DMA,
            pltpu.SemaphoreType.DMA,
        ],
        compiler_params=pltpu.CompilerParams(
            needs_layout_passes=False, use_tc_tiling_on_sc=True),
    )
    def k(puraw_hbm, pupack_hbm, traw_hbm, tpack_hbm, uc_hbm, vc_hbm, out_hbm,
          uraw_v, upack_v, traw_v, tpack_v, ubuf_v, tbuf_v, sc_v, sem_u, sem_t):
        wid = lax.axis_index("s") * NC + lax.axis_index("c")
        base = wid * PW
        pltpu.sync_copy(puraw_hbm.at[pl.ds(base, PW)], uraw_v)
        pltpu.sync_copy(pupack_hbm.at[pl.ds(base, PW)], upack_v)
        pltpu.sync_copy(traw_hbm.at[pl.ds(base * T, PW * T)], traw_v)
        pltpu.sync_copy(tpack_hbm.at[pl.ds(base * T, PW * T)], tpack_v)

        lane = lax.iota(jnp.int32, 16)
        last = lane == (LANES - 1)
        nfull, rem = CT // GB, CT % GB

        def t_copies(cix, bank):
            cs = []
            for b in range(nfull):
                cs.append(pltpu.make_async_copy(
                    vc_hbm.at[tpack_v.at[pl.ds(cix * CT + b * GB, GB)]],
                    tbuf_v.at[bank, pl.ds(b * GB, GB)], sem_t))
            if rem:
                cs.append(pltpu.make_async_copy(
                    vc_hbm.at[tpack_v.at[pl.ds(cix * CT + nfull * GB, rem)]],
                    tbuf_v.at[bank, pl.ds(nfull * GB, rem)], sem_t))
            return cs

        def u_copy(cix, bank):
            return pltpu.make_async_copy(
                uc_hbm.at[upack_v.at[pl.ds(cix * C, C)]],
                ubuf_v.at[bank], sem_u)

        for cp in t_copies(0, 0):
            cp.start()
        u_copy(0, 0).start()

        def chunk_body(cix, carry):
            bank = lax.rem(cix, 2)
            nbank = 1 - bank

            @pl.when(cix < NCHUNK - 1)
            def _():
                for cp in t_copies(cix + 1, nbank):
                    cp.start()
                u_copy(cix + 1, nbank).start()

            for cp in t_copies(cix, bank):
                cp.wait()
            u_copy(cix, bank).wait()

            def pair_body(p, carry2):
                gp = cix * C + p
                uraw = plsc.load_gather(uraw_v, [jnp.full((16,), gp, jnp.int32)])
                ucol = ((uraw >> 12) & 1) * EMB_DIM + lane
                pv = jnp.full((16,), p, jnp.int32)
                u0 = plsc.load_gather(ubuf_v.at[bank], [pv, ucol])
                u1 = plsc.load_gather(ubuf_v.at[bank], [pv, ucol + 16])
                u2 = plsc.load_gather(ubuf_v.at[bank], [pv, ucol + 32])
                u3 = plsc.load_gather(ubuf_v.at[bank], [pv, ucol + 48])
                def t_loads(t):
                    q = p * T + t
                    traw = plsc.load_gather(
                        traw_v, [jnp.full((16,), cix * CT + q, jnp.int32)])
                    tcol = ((traw >> 12) & 1) * EMB_DIM + lane
                    qv = jnp.full((16,), q, jnp.int32)
                    return (qv,
                            plsc.load_gather(tbuf_v.at[bank], [qv, tcol]),
                            plsc.load_gather(tbuf_v.at[bank], [qv, tcol + 16]),
                            plsc.load_gather(tbuf_v.at[bank], [qv, tcol + 32]),
                            plsc.load_gather(tbuf_v.at[bank], [qv, tcol + 48]))

                cur = t_loads(0)
                for t in range(T):
                    nxt = t_loads(t + 1) if t + 1 < T else cur
                    qv, t0, t1, t2, t3 = cur
                    part = u0 * t0 + u1 * t1 + u2 * t2 + u3 * t3
                    cum = plsc.cumsum(part)
                    plsc.store_scatter(sc_v, [qv], cum, mask=last)
                    cur = nxt
                return carry2

            lax.fori_loop(0, C, pair_body, 0, unroll=False)
            pltpu.sync_copy(
                sc_v, out_hbm.at[pl.ds((base + cix * C) * T, CT)])
            return carry

        lax.fori_loop(0, NCHUNK, chunk_body, 0, unroll=False)

    return k(pu_raw, pu_pack, t_raw, t_pack, uc, vc)


def _tc_loss(scores):
    n = scores.shape[0]
    grid = 8
    blk = n // grid

    def body(s_ref, pos_ref, neg_ref):
        g = pl.program_id(0)
        x = s_ref[...]
        xc = jnp.clip(x, -6.0, 6.0)
        idx = g * blk + lax.broadcasted_iota(jnp.int32, x.shape, 0)
        ispos = lax.rem(idx, T) == 0
        elem = jnp.log1p(jnp.exp(jnp.where(ispos, -xc, xc)))
        pos_p = jnp.sum(jnp.where(ispos, elem, 0.0))
        neg_p = jnp.sum(jnp.where(ispos, 0.0, elem))

        @pl.when(g == 0)
        def _():
            pos_ref[...] = jnp.zeros((1, 1), jnp.float32)
            neg_ref[...] = jnp.zeros((1, 1), jnp.float32)

        pos_ref[...] += jnp.full((1, 1), pos_p, jnp.float32)
        neg_ref[...] += jnp.full((1, 1), neg_p, jnp.float32)

    pos, neg = pl.pallas_call(
        body,
        grid=(grid,),
        in_specs=[pl.BlockSpec((blk,), lambda g: (g,))],
        out_specs=[pl.BlockSpec((1, 1), lambda g: (0, 0)),
                   pl.BlockSpec((1, 1), lambda g: (0, 0))],
        out_shape=[jax.ShapeDtypeStruct((1, 1), jnp.float32)] * 2,
    )(scores)
    return pos[0, 0], neg[0, 0]


@jax.jit
def kernel(pos_u, pos_v, neg_v, u_weight, v_weight):
    B = pos_u.shape[0]
    tgt = jnp.concatenate([pos_v[:, None], neg_v], axis=1).reshape(B * T)
    uc, vc = _compact2(u_weight.T, v_weight.T)
    scores = _sc_scores(pos_u, _pack_index(pos_u), tgt, _pack_index(tgt),
                        uc, vc, B)
    return _tc_loss(scores)

# --- scband reference (transcript-rebuilt; emitter-appended) ---
"""Pipeline reference for scband-skip-gram-model-15032385536593 (READ-ONLY COPY).

The authoritative reference and input builder live on the scoring server;
editing this copy changes nothing except your own understanding.
"""

import jax, jax.numpy as jnp
import numpy as np

EMB_SIZE = 1000000
EMB_DIM = 64
NEG = 20
B = 16384


def setup_inputs(seed: int = 0) -> dict:
    key = jax.random.key(seed)
    k1, k2, k3, k4, k5 = jax.random.split(key, 5)
    initrange = 1.0 / EMB_DIM
    u_weight = jax.random.uniform(k1, (EMB_SIZE, EMB_DIM), minval=-initrange, maxval=initrange, dtype=jnp.float32)
    # NOTE: original module inits v_embeddings to all-zeros, which makes the
    # forward output degenerate (all scores 0). We init v with the same small
    # uniform range so the benchmark exercises nontrivial values.
    v_weight = jax.random.uniform(k2, (EMB_SIZE, EMB_DIM), minval=-initrange, maxval=initrange, dtype=jnp.float32)
    pos_u = jax.random.randint(k3, (B,), 0, EMB_SIZE, dtype=jnp.int32)
    pos_v = jax.random.randint(k4, (B,), 0, EMB_SIZE, dtype=jnp.int32)
    neg_v = jax.random.randint(k5, (B, NEG), 0, EMB_SIZE, dtype=jnp.int32)
    return {"pos_u": pos_u, "pos_v": pos_v, "neg_v": neg_v, "u_weight": u_weight, "v_weight": v_weight}


def reference(pos_u, pos_v, neg_v, u_weight, v_weight):
    emb_u = jnp.take(u_weight, pos_u, axis=0)          # [B, D]
    emb_v = jnp.take(v_weight, pos_v, axis=0)          # [B, D]
    emb_neg_v = jnp.take(v_weight, neg_v, axis=0)      # [B, K, D]
    score = jnp.sum(emb_u * emb_v, axis=1)
    score = jnp.clip(score, -6.0, 6.0)
    score = -jax.nn.log_sigmoid(score)
    neg_score = jnp.einsum('bkd,bd->bk', emb_neg_v, emb_u)  # bmm(emb_neg_v, emb_u[:, :, None]).squeeze()
    neg_score = jnp.clip(neg_score, -6.0, 6.0)
    neg_score = -jnp.sum(jax.nn.log_sigmoid(-neg_score), axis=1)
    return (jnp.sum(score), jnp.sum(neg_score))

if __name__ == "__main__":
    import jax
    _d = setup_inputs()
    print(jax.jit(kernel)(*tuple(_d.values())))

</pallas_src>

<mosaic_0001>
#map = affine_map<(d0, d1) -> (0)>
#map1 = affine_map<(d0, d1) -> (0, 0)>
module attributes {stable_mosaic.version = 14 : i64} {
  func.func @k(%arg0: i32, %arg1: i32, %arg2: memref<16384xi32, #tpu.memory_space<hbm>>, %arg3: memref<16384xi32, #tpu.memory_space<hbm>>, %arg4: memref<344064xi32, #tpu.memory_space<hbm>>, %arg5: memref<344064xi32, #tpu.memory_space<hbm>>, %arg6: memref<503808x128xf32, #tpu.memory_space<hbm>>, %arg7: memref<503808x128xf32, #tpu.memory_space<hbm>>, %arg8: memref<344064xf32, #tpu.memory_space<hbm>>, %arg9: memref<512xi32, #tpu.memory_space<vmem>>, %arg10: memref<512xi32, #tpu.memory_space<vmem>>, %arg11: memref<10752xi32, #tpu.memory_space<vmem>>, %arg12: memref<10752xi32, #tpu.memory_space<vmem>>, %arg13: memref<2x16x128xf32, #tpu.memory_space<vmem>>, %arg14: memref<2x336x128xf32, #tpu.memory_space<vmem>>, %arg15: memref<336xf32, #tpu.memory_space<vmem>>, %arg16: memref<!tpu.dma_semaphore, #tpu.memory_space<semaphore_mem>>, %arg17: memref<!tpu.dma_semaphore, #tpu.memory_space<semaphore_mem>>) attributes {dimension_semantics = [#tpu.dimension_semantics<core_parallel>, #tpu.dimension_semantics<subcore_parallel>], iteration_bounds = array<i64: 2, 16>, scalar_prefetch = 0 : i64, scratch_operands = 9 : i64, tpu.core_type = #tpu.core_type<sc_vector_subcore>, window_params = [{transform_indices = #map}, {transform_indices = #map}, {transform_indices = #map}, {transform_indices = #map}, {transform_indices = #map1}, {transform_indices = #map1}, {transform_indices = #map}]} {
    %mul3A = arith.constant 2 : i32
    %mul3A_0 = arith.muli %arg1, %mul3A : i32
    %add3A = arith.addi %mul3A_0, %arg0 : i32
    %mul3A_1 = arith.constant 512 : i32
    %mul3A_2 = arith.muli %add3A, %mul3A_1 : i32
    "tpu.region"() ({
      %run_scoped3A = tpu.sem_alloc : memref<!tpu.dma_semaphore, #tpu.memory_space<semaphore_mem>>
      %dma_start3A_53 = tpu.memref_slice %arg2[%mul3A_2] : memref<16384xi32, #tpu.memory_space<hbm>> -> memref<512xi32, #tpu.memory_space<hbm>>
      %dma_start3A_54 = tpu.memref_slice %arg2[%mul3A_2] : memref<16384xi32, #tpu.memory_space<hbm>> -> memref<512xi32, #tpu.memory_space<hbm>>
      tpu.enqueue_dma source(%dma_start3A_54 : memref<512xi32, #tpu.memory_space<hbm>>) target(%arg9 : memref<512xi32, #tpu.memory_space<vmem>>) target_semaphore(%run_scoped3A : memref<!tpu.dma_semaphore, #tpu.memory_space<semaphore_mem>>)
      %dma_wait3A = tpu.memref_slice %arg2[%mul3A_2] : memref<16384xi32, #tpu.memory_space<hbm>> -> memref<512xi32, #tpu.memory_space<hbm>>
      %dma_wait3A_55 = tpu.memref_slice %arg2[%mul3A_2] : memref<16384xi32, #tpu.memory_space<hbm>> -> memref<512xi32, #tpu.memory_space<hbm>>
      tpu.wait_dma2 semaphore(%run_scoped3A : memref<!tpu.dma_semaphore, #tpu.memory_space<semaphore_mem>>) src(%dma_wait3A_55 : memref<512xi32, #tpu.memory_space<hbm>>) dst(%arg9 : memref<512xi32, #tpu.memory_space<vmem>>)
      tpu.yield
    }) : () -> ()
    "tpu.region"() ({
      %run_scoped3A = tpu.sem_alloc : memref<!tpu.dma_semaphore, #tpu.memory_space<semaphore_mem>>
      %dma_start3A_53 = tpu.memref_slice %arg3[%mul3A_2] : memref<16384xi32, #tpu.memory_space<hbm>> -> memref<512xi32, #tpu.memory_space<hbm>>
      %dma_start3A_54 = tpu.memref_slice %arg3[%mul3A_2] : memref<16384xi32, #tpu.memory_space<hbm>> -> memref<512xi32, #tpu.memory_space<hbm>>
      tpu.enqueue_dma source(%dma_start3A_54 : memref<512xi32, #tpu.memory_space<hbm>>) target(%arg10 : memref<512xi32, #tpu.memory_space<vmem>>) target_semaphore(%run_scoped3A : memref<!tpu.dma_semaphore, #tpu.memory_space<semaphore_mem>>)
      %dma_wait3A = tpu.memref_slice %arg3[%mul3A_2] : memref<16384xi32, #tpu.memory_space<hbm>> -> memref<512xi32, #tpu.memory_space<hbm>>
      %dma_wait3A_55 = tpu.memref_slice %arg3[%mul3A_2] : memref<16384xi32, #tpu.memory_space<hbm>> -> memref<512xi32, #tpu.memory_space<hbm>>
      tpu.wait_dma2 semaphore(%run_scoped3A : memref<!tpu.dma_semaphore, #tpu.memory_space<semaphore_mem>>) src(%dma_wait3A_55 : memref<512xi32, #tpu.memory_space<hbm>>) dst(%arg10 : memref<512xi32, #tpu.memory_space<vmem>>)
      tpu.yield
    }) : () -> ()
    %mul3A_3 = arith.constant 21 : i32
    %mul3A_4 = arith.muli %mul3A_2, %mul3A_3 : i32
    "tpu.region"() ({
      %run_scoped3A = tpu.sem_alloc : memref<!tpu.dma_semaphore, #tpu.memory_space<semaphore_mem>>
      %dma_start3A_53 = tpu.memref_slice %arg4[%mul3A_4] : memref<344064xi32, #tpu.memory_space<hbm>> -> memref<10752xi32, #tpu.memory_space<hbm>>
      %dma_start3A_54 = tpu.memref_slice %arg4[%mul3A_4] : memref<344064xi32, #tpu.memory_space<hbm>> -> memref<10752xi32, #tpu.memory_space<hbm>>
      tpu.enqueue_dma source(%dma_start3A_54 : memref<10752xi32, #tpu.memory_space<hbm>>) target(%arg11 : memref<10752xi32, #tpu.memory_space<vmem>>) target_semaphore(%run_scoped3A : memref<!tpu.dma_semaphore, #tpu.memory_space<semaphore_mem>>)
      %dma_wait3A = tpu.memref_slice %arg4[%mul3A_4] : memref<344064xi32, #tpu.memory_space<hbm>> -> memref<10752xi32, #tpu.memory_space<hbm>>
      %dma_wait3A_55 = tpu.memref_slice %arg4[%mul3A_4] : memref<344064xi32, #tpu.memory_space<hbm>> -> memref<10752xi32, #tpu.memory_space<hbm>>
      tpu.wait_dma2 semaphore(%run_scoped3A : memref<!tpu.dma_semaphore, #tpu.memory_space<semaphore_mem>>) src(%dma_wait3A_55 : memref<10752xi32, #tpu.memory_space<hbm>>) dst(%arg11 : memref<10752xi32, #tpu.memory_space<vmem>>)
      tpu.yield
    }) : () -> ()
    %mul3A_5 = arith.constant 21 : i32
    %mul3A_6 = arith.muli %mul3A_2, %mul3A_5 : i32
    "tpu.region"() ({
      %run_scoped3A = tpu.sem_alloc : memref<!tpu.dma_semaphore, #tpu.memory_space<semaphore_mem>>
      %dma_start3A_53 = tpu.memref_slice %arg5[%mul3A_6] : memref<344064xi32, #tpu.memory_space<hbm>> -> memref<10752xi32, #tpu.memory_space<hbm>>
      %dma_start3A_54 = tpu.memref_slice %arg5[%mul3A_6] : memref<344064xi32, #tpu.memory_space<hbm>> -> memref<10752xi32, #tpu.memory_space<hbm>>
      tpu.enqueue_dma source(%dma_start3A_54 : memref<10752xi32, #tpu.memory_space<hbm>>) target(%arg12 : memref<10752xi32, #tpu.memory_space<vmem>>) target_semaphore(%run_scoped3A : memref<!tpu.dma_semaphore, #tpu.memory_space<semaphore_mem>>)
      %dma_wait3A = tpu.memref_slice %arg5[%mul3A_6] : memref<344064xi32, #tpu.memory_space<hbm>> -> memref<10752xi32, #tpu.memory_space<hbm>>
      %dma_wait3A_55 = tpu.memref_slice %arg5[%mul3A_6] : memref<344064xi32, #tpu.memory_space<hbm>> -> memref<10752xi32, #tpu.memory_space<hbm>>
      tpu.wait_dma2 semaphore(%run_scoped3A : memref<!tpu.dma_semaphore, #tpu.memory_space<semaphore_mem>>) src(%dma_wait3A_55 : memref<10752xi32, #tpu.memory_space<hbm>>) dst(%arg12 : memref<10752xi32, #tpu.memory_space<vmem>>)
      tpu.yield
    }) : () -> ()
    %iota3A = tpu.iota {dimensions = array<i32: 0>} : vector<16xi32>
    %eq3A = arith.constant 15 : i32
    %eq3A_7 = vector.broadcast %eq3A : i32 to vector<16xi32>
    %eq3A_8 = arith.cmpi eq, %iota3A, %eq3A_7 : vector<16xi32>
    %dma_start3A = arith.constant 0 : i32
    %dma_start3A_9 = arith.constant 0 : i32
    %dma_start3A_10 = arith.constant 0 : i32
    %dma_start3A_11 = tpu.memref_slice %arg14[%dma_start3A, %dma_start3A_9, %dma_start3A_10] : memref<2x336x128xf32, #tpu.memory_space<vmem>> -> memref<1x128x128xf32, #tpu.memory_space<vmem>>
    %dma_start3A_12 = tpu.memref_squeeze %dma_start3A_11 : memref<1x128x128xf32, #tpu.memory_space<vmem>> -> memref<128x128xf32, #tpu.memory_space<vmem>>
    %dma_start3A_13 = arith.constant 0 : i32
    %dma_start3A_14 = tpu.memref_slice %arg12[%dma_start3A_13] : memref<10752xi32, #tpu.memory_space<vmem>> -> memref<128xi32, #tpu.memory_space<vmem>>
    %dma_start3A_15 = arith.constant 0 : i32
    %dma_start3A_16 = arith.constant 0 : i32
    %dma_start3A_17 = tpu.memref_slice %arg7[%dma_start3A_15, %dma_start3A_16] : memref<503808x128xf32, #tpu.memory_space<hbm>> -> memref<503808x128xf32, #tpu.memory_space<hbm>>
    tpu.enqueue_indirect_dma source(%dma_start3A_17 : memref<503808x128xf32, #tpu.memory_space<hbm>>) target(%dma_start3A_12 : memref<128x128xf32, #tpu.memory_space<vmem>>) offsets(%dma_start3A_14 : memref<128xi32, #tpu.memory_space<vmem>>) semaphore(%arg17 : memref<!tpu.dma_semaphore, #tpu.memory_space<semaphore_mem>>)
    %dma_start3A_18 = arith.constant 0 : i32
    %dma_start3A_19 = arith.constant 128 : i32
    %dma_start3A_20 = arith.constant 0 : i32
    %dma_start3A_21 = tpu.memref_slice %arg14[%dma_start3A_18, %dma_start3A_19, %dma_start3A_20] : memref<2x336x128xf32, #tpu.memory_space<vmem>> -> memref<1x128x128xf32, #tpu.memory_space<vmem>>
    %dma_start3A_22 = tpu.memref_squeeze %dma_start3A_21 : memref<1x128x128xf32, #tpu.memory_space<vmem>> -> memref<128x128xf32, #tpu.memory_space<vmem>>
    %dma_start3A_23 = arith.constant 128 : i32
    %dma_start3A_24 = tpu.memref_slice %arg12[%dma_start3A_23] : memref<10752xi32, #tpu.memory_space<vmem>> -> memref<128xi32, #tpu.memory_space<vmem>>
    %dma_start3A_25 = arith.constant 0 : i32
    %dma_start3A_26 = arith.constant 0 : i32
    %dma_start3A_27 = tpu.memref_slice %arg7[%dma_start3A_25, %dma_start3A_26] : memref<503808x128xf32, #tpu.memory_space<hbm>> -> memref<503808x128xf32, #tpu.memory_space<hbm>>
    tpu.enqueue_indirect_dma source(%dma_start3A_27 : memref<503808x128xf32, #tpu.memory_space<hbm>>) target(%dma_start3A_22 : memref<128x128xf32, #tpu.memory_space<vmem>>) offsets(%dma_start3A_24 : memref<128xi32, #tpu.memory_space<vmem>>) semaphore(%arg17 : memref<!tpu.dma_semaphore, #tpu.memory_space<semaphore_mem>>)
    %dma_start3A_28 = arith.constant 0 : i32
    %dma_start3A_29 = arith.constant 256 : i32
    %dma_start3A_30 = arith.constant 0 : i32
    %dma_start3A_31 = tpu.memref_slice %arg14[%dma_start3A_28, %dma_start3A_29, %dma_start3A_30] : memref<2x336x128xf32, #tpu.memory_space<vmem>> -> memref<1x80x128xf32, #tpu.memory_space<vmem>>
    %dma_start3A_32 = tpu.memref_squeeze %dma_start3A_31 : memref<1x80x128xf32, #tpu.memory_space<vmem>> -> memref<80x128xf32, #tpu.memory_space<vmem>>
    %dma_start3A_33 = arith.constant 256 : i32
    %dma_start3A_34 = tpu.memref_slice %arg12[%dma_start3A_33] : memref<10752xi32, #tpu.memory_space<vmem>> -> memref<80xi32, #tpu.memory_space<vmem>>
    %dma_start3A_35 = arith.constant 0 : i32
    %dma_start3A_36 = arith.constant 0 : i32
    %dma_start3A_37 = tpu.memref_slice %arg7[%dma_start3A_35, %dma_start3A_36] : memref<503808x128xf32, #tpu.memory_space<hbm>> -> memref<503808x128xf32, #tpu.memory_space<hbm>>
    tpu.enqueue_indirect_dma source(%dma_start3A_37 : memref<503808x128xf32, #tpu.memory_space<hbm>>) target(%dma_start3A_32 : memref<80x128xf32, #tpu.memory_space<vmem>>) offsets(%dma_start3A_34 : memref<80xi32, #tpu.memory_space<vmem>>) semaphore(%arg17 : memref<!tpu.dma_semaphore, #tpu.memory_space<semaphore_mem>>)
    %dma_start3A_38 = arith.constant 0 : i32
    %dma_start3A_39 = arith.constant 0 : i32
    %dma_start3A_40 = arith.constant 0 : i32
    %dma_start3A_41 = tpu.memref_slice %arg13[%dma_start3A_38, %dma_start3A_39, %dma_start3A_40] : memref<2x16x128xf32, #tpu.memory_space<vmem>> -> memref<1x16x128xf32, #tpu.memory_space<vmem>>
    %dma_start3A_42 = tpu.memref_squeeze %dma_start3A_41 : memref<1x16x128xf32, #tpu.memory_space<vmem>> -> memref<16x128xf32, #tpu.memory_space<vmem>>
    %dma_start3A_43 = arith.constant 0 : i32
    %dma_start3A_44 = tpu.memref_slice %arg10[%dma_start3A_43] : memref<512xi32, #tpu.memory_space<vmem>> -> memref<16xi32, #tpu.memory_space<vmem>>
    %dma_start3A_45 = arith.constant 0 : i32
    %dma_start3A_46 = arith.constant 0 : i32
    %dma_start3A_47 = tpu.memref_slice %arg6[%dma_start3A_45, %dma_start3A_46] : memref<503808x128xf32, #tpu.memory_space<hbm>> -> memref<503808x128xf32, #tpu.memory_space<hbm>>
    tpu.enqueue_indirect_dma source(%dma_start3A_47 : memref<503808x128xf32, #tpu.memory_space<hbm>>) target(%dma_start3A_42 : memref<16x128xf32, #tpu.memory_space<vmem>>) offsets(%dma_start3A_44 : memref<16xi32, #tpu.memory_space<vmem>>) semaphore(%arg16 : memref<!tpu.dma_semaphore, #tpu.memory_space<semaphore_mem>>)
    %scan3A = arith.constant 0 : i32
    %scan3A_48 = arith.constant 0 : i32
    %scan3A_49 = arith.constant 32 : i32
    %scan3A_50 = arith.addi %scan3A_48, %scan3A_49 : i32
    %scan3A_51 = arith.constant 1 : i32
    scf.for %scan3A_53 = %scan3A_48 to %scan3A_50 step %scan3A_51  : i32 {
      %rem3A = arith.constant 2 : i32
      %rem3A_54 = arith.remsi %scan3A_53, %rem3A : i32
      %sub3A = arith.constant 1 : i32
      %sub3A_55 = arith.subi %sub3A, %rem3A_54 : i32
      %lt3A = arith.constant 31 : i32
      %lt3A_56 = arith.cmpi slt, %scan3A_53, %lt3A : i32
      %convert_element_type3A = arith.extui %lt3A_56 : i1 to i32
      %cond3A = arith.constant 0 : i32
      %cond3A_57 = arith.cmpi ne, %convert_element_type3A, %cond3A : i32
      scf.if %cond3A_57 {
        %add3A_114 = arith.constant 1 : i32
        %add3A_115 = arith.addi %scan3A_53, %add3A_114 : i32
        %mul3A_116 = arith.constant 336 : i32
        %mul3A_117 = arith.muli %add3A_115, %mul3A_116 : i32
        %add3A_118 = arith.constant 0 : i32
        %add3A_119 = arith.addi %mul3A_117, %add3A_118 : i32
        %mul3A_120 = arith.constant 336 : i32
        %mul3A_121 = arith.muli %add3A_115, %mul3A_120 : i32
        %add3A_122 = arith.constant 128 : i32
        %add3A_123 = arith.addi %mul3A_121, %add3A_122 : i32
        %mul3A_124 = arith.constant 336 : i32
        %mul3A_125 = arith.muli %add3A_115, %mul3A_124 : i32
        %add3A_126 = arith.constant 256 : i32
        %add3A_127 = arith.addi %mul3A_125, %add3A_126 : i32
        %dma_start3A_128 = arith.constant 0 : i32
        %dma_start3A_129 = arith.constant 0 : i32
        %dma_start3A_130 = tpu.memref_slice %arg14[%sub3A_55, %dma_start3A_128, %dma_start3A_129] : memref<2x336x128xf32, #tpu.memory_space<vmem>> -> memref<1x128x128xf32, #tpu.memory_space<vmem>>
        %dma_start3A_131 = tpu.memref_squeeze %dma_start3A_130 : memref<1x128x128xf32, #tpu.memory_space<vmem>> -> memref<128x128xf32, #tpu.memory_space<vmem>>
        %dma_start3A_132 = tpu.memref_slice %arg12[%add3A_119] : memref<10752xi32, #tpu.memory_space<vmem>> -> memref<128xi32, #tpu.memory_space<vmem>>
        %dma_start3A_133 = arith.constant 0 : i32
        %dma_start3A_134 = arith.constant 0 : i32
        %dma_start3A_135 = tpu.memref_slice %arg7[%dma_start3A_133, %dma_start3A_134] : memref<503808x128xf32, #tpu.memory_space<hbm>> -> memref<503808x128xf32, #tpu.memory_space<hbm>>
        tpu.enqueue_indirect_dma source(%dma_start3A_135 : memref<503808x128xf32, #tpu.memory_space<hbm>>) target(%dma_start3A_131 : memref<128x128xf32, #tpu.memory_space<vmem>>) offsets(%dma_start3A_132 : memref<128xi32, #tpu.memory_space<vmem>>) semaphore(%arg17 : memref<!tpu.dma_semaphore, #tpu.memory_space<semaphore_mem>>)
        %dma_start3A_136 = arith.constant 128 : i32
        %dma_start3A_137 = arith.constant 0 : i32
        %dma_start3A_138 = tpu.memref_slice %arg14[%sub3A_55, %dma_start3A_136, %dma_start3A_137] : memref<2x336x128xf32, #tpu.memory_space<vmem>> -> memref<1x128x128xf32, #tpu.memory_space<vmem>>
        %dma_start3A_139 = tpu.memref_squeeze %dma_start3A_138 : memref<1x128x128xf32, #tpu.memory_space<vmem>> -> memref<128x128xf32, #tpu.memory_space<vmem>>
        %dma_start3A_140 = tpu.memref_slice %arg12[%add3A_123] : memref<10752xi32, #tpu.memory_space<vmem>> -> memref<128xi32, #tpu.memory_space<vmem>>
        %dma_start3A_141 = arith.constant 0 : i32
        %dma_start3A_142 = arith.constant 0 : i32
        %dma_start3A_143 = tpu.memref_slice %arg7[%dma_start3A_141, %dma_start3A_142] : memref<503808x128xf32, #tpu.memory_space<hbm>> -> memref<503808x128xf32, #tpu.memory_space<hbm>>
        tpu.enqueue_indirect_dma source(%dma_start3A_143 : memref<503808x128xf32, #tpu.memory_space<hbm>>) target(%dma_start3A_139 : memref<128x128xf32, #tpu.memory_space<vmem>>) offsets(%dma_start3A_140 : memref<128xi32, #tpu.memory_space<vmem>>) semaphore(%arg17 : memref<!tpu.dma_semaphore, #tpu.memory_space<semaphore_mem>>)
        %dma_start3A_144 = arith.constant 256 : i32
        %dma_start3A_145 = arith.constant 0 : i32
        %dma_start3A_146 = tpu.memref_slice %arg14[%sub3A_55, %dma_start3A_144, %dma_start3A_145] : memref<2x336x128xf32, #tpu.memory_space<vmem>> -> memref<1x80x128xf32, #tpu.memory_space<vmem>>
        %dma_start3A_147 = tpu.memref_squeeze %dma_start3A_146 : memref<1x80x128xf32, #tpu.memory_space<vmem>> -> memref<80x128xf32, #tpu.memory_space<vmem>>
        %dma_start3A_148 = tpu.memref_slice %arg12[%add3A_127] : memref<10752xi32, #tpu.memory_space<vmem>> -> memref<80xi32, #tpu.memory_space<vmem>>
        %dma_start3A_149 = arith.constant 0 : i32
        %dma_start3A_150 = arith.constant 0 : i32
        %dma_start3A_151 = tpu.memref_slice %arg7[%dma_start3A_149, %dma_start3A_150] : memref<503808x128xf32, #tpu.memory_space<hbm>> -> memref<503808x128xf32, #tpu.memory_space<hbm>>
        tpu.enqueue_indirect_dma source(%dma_start3A_151 : memref<503808x128xf32, #tpu.memory_space<hbm>>) target(%dma_start3A_147 : memref<80x128xf32, #tpu.memory_space<vmem>>) offsets(%dma_start3A_148 : memref<80xi32, #tpu.memory_space<vmem>>) semaphore(%arg17 : memref<!tpu.dma_semaphore, #tpu.memory_space<semaphore_mem>>)
        %add3A_152 = arith.constant 1 : i32
        %add3A_153 = arith.addi %scan3A_53, %add3A_152 : i32
        %mul3A_154 = arith.constant 16 : i32
        %mul3A_155 = arith.muli %add3A_153, %mul3A_154 : i32
        %dma_start3A_156 = arith.constant 0 : i32
        %dma_start3A_157 = arith.constant 0 : i32
        %dma_start3A_158 = tpu.memref_slice %arg13[%sub3A_55, %dma_start3A_156, %dma_start3A_157] : memref<2x16x128xf32, #tpu.memory_space<vmem>> -> memref<1x16x128xf32, #tpu.memory_space<vmem>>
        %dma_start3A_159 = tpu.memref_squeeze %dma_start3A_158 : memref<1x16x128xf32, #tpu.memory_space<vmem>> -> memref<16x128xf32, #tpu.memory_space<vmem>>
        %dma_start3A_160 = tpu.memref_slice %arg10[%mul3A_155] : memref<512xi32, #tpu.memory_space<vmem>> -> memref<16xi32, #tpu.memory_space<vmem>>
        %dma_start3A_161 = arith.constant 0 : i32
        %dma_start3A_162 = arith.constant 0 : i32
        %dma_start3A_163 = tpu.memref_slice %arg6[%dma_start3A_161, %dma_start3A_162] : memref<503808x128xf32, #tpu.memory_space<hbm>> -> memref<503808x128xf32, #tpu.memory_space<hbm>>
        tpu.enqueue_indirect_dma source(%dma_start3A_163 : memref<503808x128xf32, #tpu.memory_space<hbm>>) target(%dma_start3A_159 : memref<16x128xf32, #tpu.memory_space<vmem>>) offsets(%dma_start3A_160 : memref<16xi32, #tpu.memory_space<vmem>>) semaphore(%arg16 : memref<!tpu.dma_semaphore, #tpu.memory_space<semaphore_mem>>)
      } else {
      }
      %mul3A_58 = arith.constant 336 : i32
      %mul3A_59 = arith.muli %scan3A_53, %mul3A_58 : i32
      %add3A_60 = arith.constant 0 : i32
      %add3A_61 = arith.addi %mul3A_59, %add3A_60 : i32
      %mul3A_62 = arith.constant 336 : i32
      %mul3A_63 = arith.muli %scan3A_53, %mul3A_62 : i32
      %add3A_64 = arith.constant 128 : i32
      %add3A_65 = arith.addi %mul3A_63, %add3A_64 : i32
      %mul3A_66 = arith.constant 336 : i32
      %mul3A_67 = arith.muli %scan3A_53, %mul3A_66 : i32
      %add3A_68 = arith.constant 256 : i32
      %add3A_69 = arith.addi %mul3A_67, %add3A_68 : i32
      %dma_wait3A = arith.constant 0 : i32
      %dma_wait3A_70 = arith.constant 0 : i32
      %dma_wait3A_71 = tpu.memref_slice %arg14[%rem3A_54, %dma_wait3A, %dma_wait3A_70] : memref<2x336x128xf32, #tpu.memory_space<vmem>> -> memref<1x128x128xf32, #tpu.memory_space<vmem>>
      %dma_wait3A_72 = tpu.memref_squeeze %dma_wait3A_71 : memref<1x128x128xf32, #tpu.memory_space<vmem>> -> memref<128x128xf32, #tpu.memory_space<vmem>>
      %dma_wait3A_73 = tpu.memref_slice %arg12[%add3A_61] : memref<10752xi32, #tpu.memory_space<vmem>> -> memref<128xi32, #tpu.memory_space<vmem>>
      %dma_wait3A_74 = arith.constant 0 : i32
      %dma_wait3A_75 = arith.constant 0 : i32
      %dma_wait3A_76 = tpu.memref_slice %arg7[%dma_wait3A_74, %dma_wait3A_75] : memref<503808x128xf32, #tpu.memory_space<hbm>> -> memref<503808x128xf32, #tpu.memory_space<hbm>>
      tpu.wait_indirect_dma semaphore(%arg17 : memref<!tpu.dma_semaphore, #tpu.memory_space<semaphore_mem>>) src(%dma_wait3A_76 : memref<503808x128xf32, #tpu.memory_space<hbm>>) dst(%dma_wait3A_72 : memref<128x128xf32, #tpu.memory_space<vmem>>)
      %dma_wait3A_77 = arith.constant 128 : i32
      %dma_wait3A_78 = arith.constant 0 : i32
      %dma_wait3A_79 = tpu.memref_slice %arg14[%rem3A_54, %dma_wait3A_77, %dma_wait3A_78] : memref<2x336x128xf32, #tpu.memory_space<vmem>> -> memref<1x128x128xf32, #tpu.memory_space<vmem>>
      %dma_wait3A_80 = tpu.memref_squeeze %dma_wait3A_79 : memref<1x128x128xf32, #tpu.memory_space<vmem>> -> memref<128x128xf32, #tpu.memory_space<vmem>>
      %dma_wait3A_81 = tpu.memref_slice %arg12[%add3A_65] : memref<10752xi32, #tpu.memory_space<vmem>> -> memref<128xi32, #tpu.memory_space<vmem>>
      %dma_wait3A_82 = arith.constant 0 : i32
      %dma_wait3A_83 = arith.constant 0 : i32
      %dma_wait3A_84 = tpu.memref_slice %arg7[%dma_wait3A_82, %dma_wait3A_83] : memref<503808x128xf32, #tpu.memory_space<hbm>> -> memref<503808x128xf32, #tpu.memory_space<hbm>>
      tpu.wait_indirect_dma semaphore(%arg17 : memref<!tpu.dma_semaphore, #tpu.memory_space<semaphore_mem>>) src(%dma_wait3A_84 : memref<503808x128xf32, #tpu.memory_space<hbm>>) dst(%dma_wait3A_80 : memref<128x128xf32, #tpu.memory_space<vmem>>)
      %dma_wait3A_85 = arith.constant 256 : i32
      %dma_wait3A_86 = arith.constant 0 : i32
      %dma_wait3A_87 = tpu.memref_slice %arg14[%rem3A_54, %dma_wait3A_85, %dma_wait3A_86] : memref<2x336x128xf32, #tpu.memory_space<vmem>> -> memref<1x80x128xf32, #tpu.memory_space<vmem>>
      %dma_wait3A_88 = tpu.memref_squeeze %dma_wait3A_87 : memref<1x80x128xf32, #tpu.memory_space<vmem>> -> memref<80x128xf32, #tpu.memory_space<vmem>>
      %dma_wait3A_89 = tpu.memref_slice %arg12[%add3A_69] : memref<10752xi32, #tpu.memory_space<vmem>> -> memref<80xi32, #tpu.memory_space<vmem>>
      %dma_wait3A_90 = arith.constant 0 : i32
      %dma_wait3A_91 = arith.constant 0 : i32
      %dma_wait3A_92 = tpu.memref_slice %arg7[%dma_wait3A_90, %dma_wait3A_91] : memref<503808x128xf32, #tpu.memory_space<hbm>> -> memref<503808x128xf32, #tpu.memory_space<hbm>>
      tpu.wait_indirect_dma semaphore(%arg17 : memref<!tpu.dma_semaphore, #tpu.memory_space<semaphore_mem>>) src(%dma_wait3A_92 : memref<503808x128xf32, #tpu.memory_space<hbm>>) dst(%dma_wait3A_88 : memref<80x128xf32, #tpu.memory_space<vmem>>)
      %mul3A_93 = arith.constant 16 : i32
      %mul3A_94 = arith.muli %scan3A_53, %mul3A_93 : i32
      %dma_wait3A_95 = arith.constant 0 : i32
      %dma_wait3A_96 = arith.constant 0 : i32
      %dma_wait3A_97 = tpu.memref_slice %arg13[%rem3A_54, %dma_wait3A_95, %dma_wait3A_96] : memref<2x16x128xf32, #tpu.memory_space<vmem>> -> memref<1x16x128xf32, #tpu.memory_space<vmem>>
      %dma_wait3A_98 = tpu.memref_squeeze %dma_wait3A_97 : memref<1x16x128xf32, #tpu.memory_space<vmem>> -> memref<16x128xf32, #tpu.memory_space<vmem>>
      %dma_wait3A_99 = tpu.memref_slice %arg10[%mul3A_94] : memref<512xi32, #tpu.memory_space<vmem>> -> memref<16xi32, #tpu.memory_space<vmem>>
      %dma_wait3A_100 = arith.constant 0 : i32
      %dma_wait3A_101 = arith.constant 0 : i32
      %dma_wait3A_102 = tpu.memref_slice %arg6[%dma_wait3A_100, %dma_wait3A_101] : memref<503808x128xf32, #tpu.memory_space<hbm>> -> memref<503808x128xf32, #tpu.memory_space<hbm>>
      tpu.wait_indirect_dma semaphore(%arg16 : memref<!tpu.dma_semaphore, #tpu.memory_space<semaphore_mem>>) src(%dma_wait3A_102 : memref<503808x128xf32, #tpu.memory_space<hbm>>) dst(%dma_wait3A_98 : memref<16x128xf32, #tpu.memory_space<vmem>>)
      %scan3A_103 = arith.constant 0 : i32
      %scan3A_104 = arith.constant 0 : i32
      %scan3A_105 = arith.constant 16 : i32
      %scan3A_106 = arith.addi %scan3A_104, %scan3A_105 : i32
      %scan3A_107 = arith.constant 1 : i32
      scf.for %scan3A_114 = %scan3A_104 to %scan3A_106 step %scan3A_107  : i32 {
        %mul3A_115 = arith.constant 16 : i32
        %mul3A_116 = arith.muli %scan3A_53, %mul3A_115 : i32
        %add3A_117 = arith.addi %mul3A_116, %scan3A_114 : i32
        %broadcast_in_dim3A = vector.broadcast %add3A_117 : i32 to vector<16xi32>
        %gather3A = tpu.vector_load_idx %arg9[%broadcast_in_dim3A] : memref<512xi32, #tpu.memory_space<vmem>>[vector<16xi32>], vector<16xi32>,
        %shift_right_arithmetic3A = arith.constant 12 : i32
        %shift_right_arithmetic3A_118 = vector.broadcast %shift_right_arithmetic3A : i32 to vector<16xi32>
        %shift_right_arithmetic3A_119 = arith.shrsi %gather3A, %shift_right_arithmetic3A_118 : vector<16xi32>
        %and3A = arith.constant 1 : i32
        %and3A_120 = vector.broadcast %and3A : i32 to vector<16xi32>
        %and3A_121 = arith.andi %shift_right_arithmetic3A_119, %and3A_120 : vector<16xi32>
        %mul3A_122 = arith.constant 64 : i32
        %mul3A_123 = vector.broadcast %mul3A_122 : i32 to vector<16xi32>
        %mul3A_124 = arith.muli %and3A_121, %mul3A_123 : vector<16xi32>
        %add3A_125 = arith.addi %mul3A_124, %iota3A : vector<16xi32>
        %broadcast_in_dim3A_126 = vector.broadcast %scan3A_114 : i32 to vector<16xi32>
        %gather3A_127 = arith.constant 0 : i32
        %gather3A_128 = arith.constant 0 : i32
        %gather3A_129 = tpu.memref_slice %arg13[%rem3A_54, %gather3A_127, %gather3A_128] : memref<2x16x128xf32, #tpu.memory_space<vmem>> -> memref<1x16x128xf32, #tpu.memory_space<vmem>>
        %gather3A_130 = tpu.memref_squeeze %gather3A_129 : memref<1x16x128xf32, #tpu.memory_space<vmem>> -> memref<16x128xf32, #tpu.memory_space<vmem>>
        %gather3A_131 = tpu.vector_load_idx %gather3A_130[%broadcast_in_dim3A_126, %add3A_125] : memref<16x128xf32, #tpu.memory_space<vmem>>[vector<16xi32>, vector<16xi32>], vector<16xf32>,
        %add3A_132 = arith.constant 16 : i32
        %add3A_133 = vector.broadcast %add3A_132 : i32 to vector<16xi32>
        %add3A_134 = arith.addi %add3A_125, %add3A_133 : vector<16xi32>
        %gather3A_135 = arith.constant 0 : i32
        %gather3A_136 = arith.constant 0 : i32
        %gather3A_137 = tpu.memref_slice %arg13[%rem3A_54, %gather3A_135, %gather3A_136] : memref<2x16x128xf32, #tpu.memory_space<vmem>> -> memref<1x16x128xf32, #tpu.memory_space<vmem>>
        %gather3A_138 = tpu.memref_squeeze %gather3A_137 : memref<1x16x128xf32, #tpu.memory_space<vmem>> -> memref<16x128xf32, #tpu.memory_space<vmem>>
        %gather3A_139 = tpu.vector_load_idx %gather3A_138[%broadcast_in_dim3A_126, %add3A_134] : memref<16x128xf32, #tpu.memory_space<vmem>>[vector<16xi32>, vector<16xi32>], vector<16xf32>,
        %add3A_140 = arith.constant 32 : i32
        %add3A_141 = vector.broadcast %add3A_140 : i32 to vector<16xi32>
        %add3A_142 = arith.addi %add3A_125, %add3A_141 : vector<16xi32>
        %gather3A_143 = arith.constant 0 : i32
        %gather3A_144 = arith.constant 0 : i32
        %gather3A_145 = tpu.memref_slice %arg13[%rem3A_54, %gather3A_143, %gather3A_144] : memref<2x16x128xf32, #tpu.memory_space<vmem>> -> memref<1x16x128xf32, #tpu.memory_space<vmem>>
        %gather3A_146 = tpu.memref_squeeze %gather3A_145 : memref<1x16x128xf32, #tpu.memory_space<vmem>> -> memref<16x128xf32, #tpu.memory_space<vmem>>
        %gather3A_147 = tpu.vector_load_idx %gather3A_146[%broadcast_in_dim3A_126, %add3A_142] : memref<16x128xf32, #tpu.memory_space<vmem>>[vector<16xi32>, vector<16xi32>], vector<16xf32>,
        %add3A_148 = arith.constant 48 : i32
        %add3A_149 = vector.broadcast %add3A_148 : i32 to vector<16xi32>
        %add3A_150 = arith.addi %add3A_125, %add3A_149 : vector<16xi32>
        %gather3A_151 = arith.constant 0 : i32
        %gather3A_152 = arith.constant 0 : i32
        %gather3A_153 = tpu.memref_slice %arg13[%rem3A_54, %gather3A_151, %gather3A_152] : memref<2x16x128xf32, #tpu.memory_space<vmem>> -> memref<1x16x128xf32, #tpu.memory_space<vmem>>
        %gather3A_154 = tpu.memref_squeeze %gather3A_153 : memref<1x16x128xf32, #tpu.memory_space<vmem>> -> memref<16x128xf32, #tpu.memory_space<vmem>>
        %gather3A_155 = tpu.vector_load_idx %gather3A_154[%broadcast_in_dim3A_126, %add3A_150] : memref<16x128xf32, #tpu.memory_space<vmem>>[vector<16xi32>, vector<16xi32>], vector<16xf32>,
        %mul3A_156 = arith.constant 21 : i32
        %mul3A_157 = arith.muli %scan3A_114, %mul3A_156 : i32
        %add3A_158 = arith.constant 0 : i32
        %add3A_159 = arith.addi %mul3A_157, %add3A_158 : i32
        %mul3A_160 = arith.constant 336 : i32
        %mul3A_161 = arith.muli %scan3A_53, %mul3A_160 : i32
        %add3A_162 = arith.addi %mul3A_161, %add3A_159 : i32
        %broadcast_in_dim3A_163 = vector.broadcast %add3A_162 : i32 to vector<16xi32>
        %gather3A_164 = tpu.vector_load_idx %arg11[%broadcast_in_dim3A_163] : memref<10752xi32, #tpu.memory_space<vmem>>[vector<16xi32>], vector<16xi32>,
        %shift_right_arithmetic3A_165 = arith.constant 12 : i32
        %shift_right_arithmetic3A_166 = vector.broadcast %shift_right_arithmetic3A_165 : i32 to vector<16xi32>
        %shift_right_arithmetic3A_167 = arith.shrsi %gather3A_164, %shift_right_arithmetic3A_166 : vector<16xi32>
        %and3A_168 = arith.constant 1 : i32
        %and3A_169 = vector.broadcast %and3A_168 : i32 to vector<16xi32>
        %and3A_170 = arith.andi %shift_right_arithmetic3A_167, %and3A_169 : vector<16xi32>
        %mul3A_171 = arith.constant 64 : i32
        %mul3A_172 = vector.broadcast %mul3A_171 : i32 to vector<16xi32>
        %mul3A_173 = arith.muli %and3A_170, %mul3A_172 : vector<16xi32>
        %add3A_174 = arith.addi %mul3A_173, %iota3A : vector<16xi32>
        %broadcast_in_dim3A_175 = vector.broadcast %add3A_159 : i32 to vector<16xi32>
        %gather3A_176 = arith.constant 0 : i32
        %gather3A_177 = arith.constant 0 : i32
        %gather3A_178 = tpu.memref_slice %arg14[%rem3A_54, %gather3A_176, %gather3A_177] : memref<2x336x128xf32, #tpu.memory_space<vmem>> -> memref<1x336x128xf32, #tpu.memory_space<vmem>>
        %gather3A_179 = tpu.memref_squeeze %gather3A_178 : memref<1x336x128xf32, #tpu.memory_space<vmem>> -> memref<336x128xf32, #tpu.memory_space<vmem>>
        %gather3A_180 = tpu.vector_load_idx %gather3A_179[%broadcast_in_dim3A_175, %add3A_174] : memref<336x128xf32, #tpu.memory_space<vmem>>[vector<16xi32>, vector<16xi32>], vector<16xf32>,
        %add3A_181 = arith.constant 16 : i32
        %add3A_182 = vector.broadcast %add3A_181 : i32 to vector<16xi32>
        %add3A_183 = arith.addi %add3A_174, %add3A_182 : vector<16xi32>
        %gather3A_184 = arith.constant 0 : i32
        %gather3A_185 = arith.constant 0 : i32
        %gather3A_186 = tpu.memref_slice %arg14[%rem3A_54, %gather3A_184, %gather3A_185] : memref<2x336x128xf32, #tpu.memory_space<vmem>> -> memref<1x336x128xf32, #tpu.memory_space<vmem>>
        %gather3A_187 = tpu.memref_squeeze %gather3A_186 : memref<1x336x128xf32, #tpu.memory_space<vmem>> -> memref<336x128xf32, #tpu.memory_space<vmem>>
        %gather3A_188 = tpu.vector_load_idx %gather3A_187[%broadcast_in_dim3A_175, %add3A_183] : memref<336x128xf32, #tpu.memory_space<vmem>>[vector<16xi32>, vector<16xi32>], vector<16xf32>,
        %add3A_189 = arith.constant 32 : i32
        %add3A_190 = vector.broadcast %add3A_189 : i32 to vector<16xi32>
        %add3A_191 = arith.addi %add3A_174, %add3A_190 : vector<16xi32>
        %gather3A_192 = arith.constant 0 : i32
        %gather3A_193 = arith.constant 0 : i32
        %gather3A_194 = tpu.memref_slice %arg14[%rem3A_54, %gather3A_192, %gather3A_193] : memref<2x336x128xf32, #tpu.memory_space<vmem>> -> memref<1x336x128xf32, #tpu.memory_space<vmem>>
        %gather3A_195 = tpu.memref_squeeze %gather3A_194 : memref<1x336x128xf32, #tpu.memory_space<vmem>> -> memref<336x128xf32, #tpu.memory_space<vmem>>
        %gather3A_196 = tpu.vector_load_idx %gather3A_195[%broadcast_in_dim3A_175, %add3A_191] : memref<336x128xf32, #tpu.memory_space<vmem>>[vector<16xi32>, vector<16xi32>], vector<16xf32>,
        %add3A_197 = arith.constant 48 : i32
        %add3A_198 = vector.broadcast %add3A_197 : i32 to vector<16xi32>
        %add3A_199 = arith.addi %add3A_174, %add3A_198 : vector<16xi32>
        %gather3A_200 = arith.constant 0 : i32
        %gather3A_201 = arith.constant 0 : i32
        %gather3A_202 = tpu.memref_slice %arg14[%rem3A_54, %gather3A_200, %gather3A_201] : memref<2x336x128xf32, #tpu.memory_space<vmem>> -> memref<1x336x128xf32, #tpu.memory_space<vmem>>
        %gather3A_203 = tpu.memref_squeeze %gather3A_202 : memref<1x336x128xf32, #tpu.memory_space<vmem>> -> memref<336x128xf32, #tpu.memory_space<vmem>>
        %gather3A_204 = tpu.vector_load_idx %gather3A_203[%broadcast_in_dim3A_175, %add3A_199] : memref<336x128xf32, #tpu.memory_space<vmem>>[vector<16xi32>, vector<16xi32>], vector<16xf32>,
        %mul3A_205 = arith.constant 21 : i32
        %mul3A_206 = arith.muli %scan3A_114, %mul3A_205 : i32
        %add3A_207 = arith.constant 1 : i32
        %add3A_208 = arith.addi %mul3A_206, %add3A_207 : i32
        %mul3A_209 = arith.constant 336 : i32
        %mul3A_210 = arith.muli %scan3A_53, %mul3A_209 : i32
        %add3A_211 = arith.addi %mul3A_210, %add3A_208 : i32
        %broadcast_in_dim3A_212 = vector.broadcast %add3A_211 : i32 to vector<16xi32>
        %gather3A_213 = tpu.vector_load_idx %arg11[%broadcast_in_dim3A_212] : memref<10752xi32, #tpu.memory_space<vmem>>[vector<16xi32>], vector<16xi32>,
        %shift_right_arithmetic3A_214 = arith.constant 12 : i32
        %shift_right_arithmetic3A_215 = vector.broadcast %shift_right_arithmetic3A_214 : i32 to vector<16xi32>
        %shift_right_arithmetic3A_216 = arith.shrsi %gather3A_213, %shift_right_arithmetic3A_215 : vector<16xi32>
        %and3A_217 = arith.constant 1 : i32
        %and3A_218 = vector.broadcast %and3A_217 : i32 to vector<16xi32>
        %and3A_219 = arith.andi %shift_right_arithmetic3A_216, %and3A_218 : vector<16xi32>
        %mul3A_220 = arith.constant 64 : i32
        %mul3A_221 = vector.broadcast %mul3A_220 : i32 to vector<16xi32>
        %mul3A_222 = arith.muli %and3A_219, %mul3A_221 : vector<16xi32>
        %add3A_223 = arith.addi %mul3A_222, %iota3A : vector<16xi32>
        %broadcast_in_dim3A_224 = vector.broadcast %add3A_208 : i32 to vector<16xi32>
        %gather3A_225 = arith.constant 0 : i32
        %gather3A_226 = arith.constant 0 : i32
        %gather3A_227 = tpu.memref_slice %arg14[%rem3A_54, %gather3A_225, %gather3A_226] : memref<2x336x128xf32, #tpu.memory_space<vmem>> -> memref<1x336x128xf32, #tpu.memory_space<vmem>>
        %gather3A_228 = tpu.memref_squeeze %gather3A_227 : memref<1x336x128xf32, #tpu.memory_space<vmem>> -> memref<336x128xf32, #tpu.memory_space<vmem>>
        %gather3A_229 = tpu.vector_load_idx %gather3A_228[%broadcast_in_dim3A_224, %add3A_223] : memref<336x128xf32, #tpu.memory_space<vmem>>[vector<16xi32>, vector<16xi32>], vector<16xf32>,
        %add3A_230 = arith.constant 16 : i32
        %add3A_231 = vector.broadcast %add3A_230 : i32 to vector<16xi32>
        %add3A_232 = arith.addi %add3A_223, %add3A_231 : vector<16xi32>
        %gather3A_233 = arith.constant 0 : i32
        %gather3A_234 = arith.constant 0 : i32
        %gather3A_235 = tpu.memref_slice %arg14[%rem3A_54, %gather3A_233, %gather3A_234] : memref<2x336x128xf32, #tpu.memory_space<vmem>> -> memref<1x336x128xf32, #tpu.memory_space<vmem>>
        %gather3A_236 = tpu.memref_squeeze %gather3A_235 : memref<1x336x128xf32, #tpu.memory_space<vmem>> -> memref<336x128xf32, #tpu.memory_space<vmem>>
        %gather3A_237 = tpu.vector_load_idx %gather3A_236[%broadcast_in_dim3A_224, %add3A_232] : memref<336x128xf32, #tpu.memory_space<vmem>>[vector<16xi32>, vector<16xi32>], vector<16xf32>,
        %add3A_238 = arith.constant 32 : i32
        %add3A_239 = vector.broadcast %add3A_238 : i32 to vector<16xi32>
        %add3A_240 = arith.addi %add3A_223, %add3A_239 : vector<16xi32>
        %gather3A_241 = arith.constant 0 : i32
        %gather3A_242 = arith.constant 0 : i32
        %gather3A_243 = tpu.memref_slice %arg14[%rem3A_54, %gather3A_241, %gather3A_242] : memref<2x336x128xf32, #tpu.memory_space<vmem>> -> memref<1x336x128xf32, #tpu.memory_space<vmem>>
        %gather3A_244 = tpu.memref_squeeze %gather3A_243 : memref<1x336x128xf32, #tpu.memory_space<vmem>> -> memref<336x128xf32, #tpu.memory_space<vmem>>
        %gather3A_245 = tpu.vector_load_idx %gather3A_244[%broadcast_in_dim3A_224, %add3A_240] : memref<336x128xf32, #tpu.memory_space<vmem>>[vector<16xi32>, vector<16xi32>], vector<16xf32>,
        %add3A_246 = arith.constant 48 : i32
        %add3A_247 = vector.broadcast %add3A_246 : i32 to vector<16xi32>
        %add3A_248 = arith.addi %add3A_223, %add3A_247 : vector<16xi32>
        %gather3A_249 = arith.constant 0 : i32
        %gather3A_250 = arith.constant 0 : i32
        %gather3A_251 = tpu.memref_slice %arg14[%rem3A_54, %gather3A_249, %gather3A_250] : memref<2x336x128xf32, #tpu.memory_space<vmem>> -> memref<1x336x128xf32, #tpu.memory_space<vmem>>
        %gather3A_252 = tpu.memref_squeeze %gather3A_251 : memref<1x336x128xf32, #tpu.memory_space<vmem>> -> memref<336x128xf32, #tpu.memory_space<vmem>>
        %gather3A_253 = tpu.vector_load_idx %gather3A_252[%broadcast_in_dim3A_224, %add3A_248] : memref<336x128xf32, #tpu.memory_space<vmem>>[vector<16xi32>, vector<16xi32>], vector<16xf32>,
        %mul3A_254 = arith.mulf %gather3A_131, %gather3A_180 : vector<16xf32>
        %mul3A_255 = arith.mulf %gather3A_139, %gather3A_188 : vector<16xf32>
        %add3A_256 = arith.addf %mul3A_254, %mul3A_255 : vector<16xf32>
        %mul3A_257 = arith.mulf %gather3A_147, %gather3A_196 : vector<16xf32>
        %add3A_258 = arith.addf %add3A_256, %mul3A_257 : vector<16xf32>
        %mul3A_259 = arith.mulf %gather3A_155, %gather3A_204 : vector<16xf32>
        %add3A_260 = arith.addf %add3A_258, %mul3A_259 : vector<16xf32>
        %broadcast_in_dim3A_261 = arith.constant true
        %broadcast_in_dim3A_262 = vector.broadcast %broadcast_in_dim3A_261 : i1 to vector<16xi1>
        %masked_cumsum3A = tpu.scan <sum>, %add3A_260 masked %broadcast_in_dim3A_262 : vector<16xf32>, vector<16xi1> -> vector<16xf32>
        tpu.vector_store_idx %arg15[%broadcast_in_dim3A_175], %masked_cumsum3A masked %eq3A_8 : memref<336xf32, #tpu.memory_space<vmem>>[vector<16xi32>], vector<16xf32>, vector<16xi1>
        %mul3A_263 = arith.constant 21 : i32
        %mul3A_264 = arith.muli %scan3A_114, %mul3A_263 : i32
        %add3A_265 = arith.constant 2 : i32
        %add3A_266 = arith.addi %mul3A_264, %add3A_265 : i32
        %mul3A_267 = arith.constant 336 : i32
        %mul3A_268 = arith.muli %scan3A_53, %mul3A_267 : i32
        %add3A_269 = arith.addi %mul3A_268, %add3A_266 : i32
        %broadcast_in_dim3A_270 = vector.broadcast %add3A_269 : i32 to vector<16xi32>
        %gather3A_271 = tpu.vector_load_idx %arg11[%broadcast_in_dim3A_270] : memref<10752xi32, #tpu.memory_space<vmem>>[vector<16xi32>], vector<16xi32>,
        %shift_right_arithmetic3A_272 = arith.constant 12 : i32
        %shift_right_arithmetic3A_273 = vector.broadcast %shift_right_arithmetic3A_272 : i32 to vector<16xi32>
        %shift_right_arithmetic3A_274 = arith.shrsi %gather3A_271, %shift_right_arithmetic3A_273 : vector<16xi32>
        %and3A_275 = arith.constant 1 : i32
        %and3A_276 = vector.broadcast %and3A_275 : i32 to vector<16xi32>
        %and3A_277 = arith.andi %shift_right_arithmetic3A_274, %and3A_276 : vector<16xi32>
        %mul3A_278 = arith.constant 64 : i32
        %mul3A_279 = vector.broadcast %mul3A_278 : i32 to vector<16xi32>
        %mul3A_280 = arith.muli %and3A_277, %mul3A_279 : vector<16xi32>
        %add3A_281 = arith.addi %mul3A_280, %iota3A : vector<16xi32>
        %broadcast_in_dim3A_282 = vector.broadcast %add3A_266 : i32 to vector<16xi32>
        %gather3A_283 = arith.constant 0 : i32
        %gather3A_284 = arith.constant 0 : i32
        %gather3A_285 = tpu.memref_slice %arg14[%rem3A_54, %gather3A_283, %gather3A_284] : memref<2x336x128xf32, #tpu.memory_space<vmem>> -> memref<1x336x128xf32, #tpu.memory_space<vmem>>
        %gather3A_286 = tpu.memref_squeeze %gather3A_285 : memref<1x336x128xf32, #tpu.memory_space<vmem>> -> memref<336x128xf32, #tpu.memory_space<vmem>>
        %gather3A_287 = tpu.vector_load_idx %gather3A_286[%broadcast_in_dim3A_282, %add3A_281] : memref<336x128xf32, #tpu.memory_space<vmem>>[vector<16xi32>, vector<16xi32>], vector<16xf32>,
        %add3A_288 = arith.constant 16 : i32
        %add3A_289 = vector.broadcast %add3A_288 : i32 to vector<16xi32>
        %add3A_290 = arith.addi %add3A_281, %add3A_289 : vector<16xi32>
        %gather3A_291 = arith.constant 0 : i32
        %gather3A_292 = arith.constant 0 : i32
        %gather3A_293 = tpu.memref_slice %arg14[%rem3A_54, %gather3A_291, %gather3A_292] : memref<2x336x128xf32, #tpu.memory_space<vmem>> -> memref<1x336x128xf32, #tpu.memory_space<vmem>>
        %gather3A_294 = tpu.memref_squeeze %gather3A_293 : memref<1x336x128xf32, #tpu.memory_space<vmem>> -> memref<336x128xf32, #tpu.memory_space<vmem>>
        %gather3A_295 = tpu.vector_load_idx %gather3A_294[%broadcast_in_dim3A_282, %add3A_290] : memref<336x128xf32, #tpu.memory_space<vmem>>[vector<16xi32>, vector<16xi32>], vector<16xf32>,
        %add3A_296 = arith.constant 32 : i32
        %add3A_297 = vector.broadcast %add3A_296 : i32 to vector<16xi32>
        %add3A_298 = arith.addi %add3A_281, %add3A_297 : vector<16xi32>
        %gather3A_299 = arith.constant 0 : i32
        %gather3A_300 = arith.constant 0 : i32
        %gather3A_301 = tpu.memref_slice %arg14[%rem3A_54, %gather3A_299, %gather3A_300] : memref<2x336x128xf32, #tpu.memory_space<vmem>> -> memref<1x336x128xf32, #tpu.memory_space<vmem>>
        %gather3A_302 = tpu.memref_squeeze %gather3A_301 : memref<1x336x128xf32, #tpu.memory_space<vmem>> -> memref<336x128xf32, #tpu.memory_space<vmem>>
        %gather3A_303 = tpu.vector_load_idx %gather3A_302[%broadcast_in_dim3A_282, %add3A_298] : memref<336x128xf32, #tpu.memory_space<vmem>>[vector<16xi32>, vector<16xi32>], vector<16xf32>,
        %add3A_304 = arith.constant 48 : i32
        %add3A_305 = vector.broadcast %add3A_304 : i32 to vector<16xi32>
        %add3A_306 = arith.addi %add3A_281, %add3A_305 : vector<16xi32>
        %gather3A_307 = arith.constant 0 : i32
        %gather3A_308 = arith.constant 0 : i32
        %gather3A_309 = tpu.memref_slice %arg14[%rem3A_54, %gather3A_307, %gather3A_308] : memref<2x336x128xf32, #tpu.memory_space<vmem>> -> memref<1x336x128xf32, #tpu.memory_space<vmem>>
        %gather3A_310 = tpu.memref_squeeze %gather3A_309 : memref<1x336x128xf32, #tpu.memory_space<vmem>> -> memref<336x128xf32, #tpu.memory_space<vmem>>
        %gather3A_311 = tpu.vector_load_idx %gather3A_310[%broadcast_in_dim3A_282, %add3A_306] : memref<336x128xf32, #tpu.memory_space<vmem>>[vector<16xi32>, vector<16xi32>], vector<16xf32>,
        %mul3A_312 = arith.mulf %gather3A_131, %gather3A_229 : vector<16xf32>
        %mul3A_313 = arith.mulf %gather3A_139, %gather3A_237 : vector<16xf32>
        %add3A_314 = arith.addf %mul3A_312, %mul3A_313 : vector<16xf32>
        %mul3A_315 = arith.mulf %gather3A_147, %gather3A_245 : vector<16xf32>
        %add3A_316 = arith.addf %add3A_314, %mul3A_315 : vector<16xf32>
        %mul3A_317 = arith.mulf %gather3A_155, %gather3A_253 : vector<16xf32>
        %add3A_318 = arith.addf %add3A_316, %mul3A_317 : vector<16xf32>
        %broadcast_in_dim3A_319 = arith.constant true
        %broadcast_in_dim3A_320 = vector.broadcast %broadcast_in_dim3A_319 : i1 to vector<16xi1>
        %masked_cumsum3A_321 = tpu.scan <sum>, %add3A_318 masked %broadcast_in_dim3A_320 : vector<16xf32>, vector<16xi1> -> vector<16xf32>
        tpu.vector_store_idx %arg15[%broadcast_in_dim3A_224], %masked_cumsum3A_321 masked %eq3A_8 : memref<336xf32, #tpu.memory_space<vmem>>[vector<16xi32>], vector<16xf32>, vector<16xi1>
        %mul3A_322 = arith.constant 21 : i32
        %mul3A_323 = arith.muli %scan3A_114, %mul3A_322 : i32
        %add3A_324 = arith.constant 3 : i32
        %add3A_325 = arith.addi %mul3A_323, %add3A_324 : i32
        %mul3A_326 = arith.constant 336 : i32
        %mul3A_327 = arith.muli %scan3A_53, %mul3A_326 : i32
        %add3A_328 = arith.addi %mul3A_327, %add3A_325 : i32
        %broadcast_in_dim3A_329 = vector.broadcast %add3A_328 : i32 to vector<16xi32>
        %gather3A_330 = tpu.vector_load_idx %arg11[%broadcast_in_dim3A_329] : memref<10752xi32, #tpu.memory_space<vmem>>[vector<16xi32>], vector<16xi32>,
        %shift_right_arithmetic3A_331 = arith.constant 12 : i32
        %shift_right_arithmetic3A_332 = vector.broadcast %shift_right_arithmetic3A_331 : i32 to vector<16xi32>
        %shift_right_arithmetic3A_333 = arith.shrsi %gather3A_330, %shift_right_arithmetic3A_332 : vector<16xi32>
        %and3A_334 = arith.constant 1 : i32
        %and3A_335 = vector.broadcast %and3A_334 : i32 to vector<16xi32>
        %and3A_336 = arith.andi %shift_right_arithmetic3A_333, %and3A_335 : vector<16xi32>
        %mul3A_337 = arith.constant 64 : i32
        %mul3A_338 = vector.broadcast %mul3A_337 : i32 to vector<16xi32>
        %mul3A_339 = arith.muli %and3A_336, %mul3A_338 : vector<16xi32>
        %add3A_340 = arith.addi %mul3A_339, %iota3A : vector<16xi32>
        %broadcast_in_dim3A_341 = vector.broadcast %add3A_325 : i32 to vector<16xi32>
        %gather3A_342 = arith.constant 0 : i32
        %gather3A_343 = arith.constant 0 : i32
        %gather3A_344 = tpu.memref_slice %arg14[%rem3A_54, %gather3A_342, %gather3A_343] : memref<2x336x128xf32, #tpu.memory_space<vmem>> -> memref<1x336x128xf32, #tpu.memory_space<vmem>>
        %gather3A_345 = tpu.memref_squeeze %gather3A_344 : memref<1x336x128xf32, #tpu.memory_space<vmem>> -> memref<336x128xf32, #tpu.memory_space<vmem>>
        %gather3A_346 = tpu.vector_load_idx %gather3A_345[%broadcast_in_dim3A_341, %add3A_340] : memref<336x128xf32, #tpu.memory_space<vmem>>[vector<16xi32>, vector<16xi32>], vector<16xf32>,
        %add3A_347 = arith.constant 16 : i32
        %add3A_348 = vector.broadcast %add3A_347 : i32 to vector<16xi32>
        %add3A_349 = arith.addi %add3A_340, %add3A_348 : vector<16xi32>
        %gather3A_350 = arith.constant 0 : i32
        %gather3A_351 = arith.constant 0 : i32
        %gather3A_352 = tpu.memref_slice %arg14[%rem3A_54, %gather3A_350, %gather3A_351] : memref<2x336x128xf32, #tpu.memory_space<vmem>> -> memref<1x336x128xf32, #tpu.memory_space<vmem>>
        %gather3A_353 = tpu.memref_squeeze %gather3A_352 : memref<1x336x128xf32, #tpu.memory_space<vmem>> -> memref<336x128xf32, #tpu.memory_space<vmem>>
        %gather3A_354 = tpu.vector_load_idx %gather3A_353[%broadcast_in_dim3A_341, %add3A_349] : memref<336x128xf32, #tpu.memory_space<vmem>>[vector<16xi32>, vector<16xi32>], vector<16xf32>,
        %add3A_355 = arith.constant 32 : i32
        %add3A_356 = vector.broadcast %add3A_355 : i32 to vector<16xi32>
        %add3A_357 = arith.addi %add3A_340, %add3A_356 : vector<16xi32>
        %gather3A_358 = arith.constant 0 : i32
        %gather3A_359 = arith.constant 0 : i32
        %gather3A_360 = tpu.memref_slice %arg14[%rem3A_54, %gather3A_358, %gather3A_359] : memref<2x336x128xf32, #tpu.memory_space<vmem>> -> memref<1x336x128xf32, #tpu.memory_space<vmem>>
        %gather3A_361 = tpu.memref_squeeze %gather3A_360 : memref<1x336x128xf32, #tpu.memory_space<vmem>> -> memref<336x128xf32, #tpu.memory_space<vmem>>
        %gather3A_362 = tpu.vector_load_idx %gather3A_361[%broadcast_in_dim3A_341, %add3A_357] : memref<336x128xf32, #tpu.memory_space<vmem>>[vector<16xi32>, vector<16xi32>], vector<16xf32>,
        %add3A_363 = arith.constant 48 : i32
        %add3A_364 = vector.broadcast %add3A_363 : i32 to vector<16xi32>
        %add3A_365 = arith.addi %add3A_340, %add3A_364 : vector<16xi32>
        %gather3A_366 = arith.constant 0 : i32
        %gather3A_367 = arith.constant 0 : i32
        %gather3A_368 = tpu.memref_slice %arg14[%rem3A_54, %gather3A_366, %gather3A_367] : memref<2x336x128xf32, #tpu.memory_space<vmem>> -> memref<1x336x128xf32, #tpu.memory_space<vmem>>
        %gather3A_369 = tpu.memref_squeeze %gather3A_368 : memref<1x336x128xf32, #tpu.memory_space<vmem>> -> memref<336x128xf32, #tpu.memory_space<vmem>>
        %gather3A_370 = tpu.vector_load_idx %gather3A_369[%broadcast_in_dim3A_341, %add3A_365] : memref<336x128xf32, #tpu.memory_space<vmem>>[vector<16xi32>, vector<16xi32>], vector<16xf32>,
        %mul3A_371 = arith.mulf %gather3A_131, %gather3A_287 : vector<16xf32>
        %mul3A_372 = arith.mulf %gather3A_139, %gather3A_295 : vector<16xf32>
        %add3A_373 = arith.addf %mul3A_371, %mul3A_372 : vector<16xf32>
        %mul3A_374 = arith.mulf %gather3A_147, %gather3A_303 : vector<16xf32>
        %add3A_375 = arith.addf %add3A_373, %mul3A_374 : vector<16xf32>
        %mul3A_376 = arith.mulf %gather3A_155, %gather3A_311 : vector<16xf32>
        %add3A_377 = arith.addf %add3A_375, %mul3A_376 : vector<16xf32>
        %broadcast_in_dim3A_378 = arith.constant true
        %broadcast_in_dim3A_379 = vector.broadcast %broadcast_in_dim3A_378 : i1 to vector<16xi1>
        %masked_cumsum3A_380 = tpu.scan <sum>, %add3A_377 masked %broadcast_in_dim3A_379 : vector<16xf32>, vector<16xi1> -> vector<16xf32>
        tpu.vector_store_idx %arg15[%broadcast_in_dim3A_282], %masked_cumsum3A_380 masked %eq3A_8 : memref<336xf32, #tpu.memory_space<vmem>>[vector<16xi32>], vector<16xf32>, vector<16xi1>
        %mul3A_381 = arith.constant 21 : i32
        %mul3A_382 = arith.muli %scan3A_114, %mul3A_381 : i32
        %add3A_383 = arith.constant 4 : i32
        %add3A_384 = arith.addi %mul3A_382, %add3A_383 : i32
        %mul3A_385 = arith.constant 336 : i32
        %mul3A_386 = arith.muli %scan3A_53, %mul3A_385 : i32
        %add3A_387 = arith.addi %mul3A_386, %add3A_384 : i32
        %broadcast_in_dim3A_388 = vector.broadcast %add3A_387 : i32 to vector<16xi32>
        %gather3A_389 = tpu.vector_load_idx %arg11[%broadcast_in_dim3A_388] : memref<10752xi32, #tpu.memory_space<vmem>>[vector<16xi32>], vector<16xi32>,
        %shift_right_arithmetic3A_390 = arith.constant 12 : i32
        %shift_right_arithmetic3A_391 = vector.broadcast %shift_right_arithmetic3A_390 : i32 to vector<16xi32>
        %shift_right_arithmetic3A_392 = arith.shrsi %gather3A_389, %shift_right_arithmetic3A_391 : vector<16xi32>
        %and3A_393 = arith.constant 1 : i32
        %and3A_394 = vector.broadcast %and3A_393 : i32 to vector<16xi32>
        %and3A_395 = arith.andi %shift_right_arithmetic3A_392, %and3A_394 : vector<16xi32>
        %mul3A_396 = arith.constant 64 : i32
        %mul3A_397 = vector.broadcast %mul3A_396 : i32 to vector<16xi32>
        %mul3A_398 = arith.muli %and3A_395, %mul3A_397 : vector<16xi32>
        %add3A_399 = arith.addi %mul3A_398, %iota3A : vector<16xi32>
        %broadcast_in_dim3A_400 = vector.broadcast %add3A_384 : i32 to vector<16xi32>
        %gather3A_401 = arith.constant 0 : i32
        %gather3A_402 = arith.constant 0 : i32
        %gather3A_403 = tpu.memref_slice %arg14[%rem3A_54, %gather3A_401, %gather3A_402] : memref<2x336x128xf32, #tpu.memory_space<vmem>> -> memref<1x336x128xf32, #tpu.memory_space<vmem>>
        %gather3A_404 = tpu.memref_squeeze %gather3A_403 : memref<1x336x128xf32, #tpu.memory_space<vmem>> -> memref<336x128xf32, #tpu.memory_space<vmem>>
        %gather3A_405 = tpu.vector_load_idx %gather3A_404[%broadcast_in_dim3A_400, %add3A_399] : memref<336x128xf32, #tpu.memory_space<vmem>>[vector<16xi32>, vector<16xi32>], vector<16xf32>,
        %add3A_406 = arith.constant 16 : i32
        %add3A_407 = vector.broadcast %add3A_406 : i32 to vector<16xi32>
        %add3A_408 = arith.addi %add3A_399, %add3A_407 : vector<16xi32>
        %gather3A_409 = arith.constant 0 : i32
        %gather3A_410 = arith.constant 0 : i32
        %gather3A_411 = tpu.memref_slice %arg14[%rem3A_54, %gather3A_409, %gather3A_410] : memref<2x336x128xf32, #tpu.memory_space<vmem>> -> memref<1x336x128xf32, #tpu.memory_space<vmem>>
        %gather3A_412 = tpu.memref_squeeze %gather3A_411 : memref<1x336x128xf32, #tpu.memory_space<vmem>> -> memref<336x128xf32, #tpu.memory_space<vmem>>
        %gather3A_413 = tpu.vector_load_idx %gather3A_412[%broadcast_in_dim3A_400, %add3A_408] : memref<336x128xf32, #tpu.memory_space<vmem>>[vector<16xi32>, vector<16xi32>], vector<16xf32>,
        %add3A_414 = arith.constant 32 : i32
        %add3A_415 = vector.broadcast %add3A_414 : i32 to vector<16xi32>
        %add3A_416 = arith.addi %add3A_399, %add3A_415 : vector<16xi32>
        %gather3A_417 = arith.constant 0 : i32
        %gather3A_418 = arith.constant 0 : i32
        %gather3A_419 = tpu.memref_slice %arg14[%rem3A_54, %gather3A_417, %gather3A_418] : memref<2x336x128xf32, #tpu.memory_space<vmem>> -> memref<1x336x128xf32, #tpu.memory_space<vmem>>
        %gather3A_420 = tpu.memref_squeeze %gather3A_419 : memref<1x336x128xf32, #tpu.memory_space<vmem>> -> memref<336x128xf32, #tpu.memory_space<vmem>>
        %gather3A_421 = tpu.vector_load_idx %gather3A_420[%broadcast_in_dim3A_400, %add3A_416] : memref<336x128xf32, #tpu.memory_space<vmem>>[vector<16xi32>, vector<16xi32>], vector<16xf32>,
        %add3A_422 = arith.constant 48 : i32
        %add3A_423 = vector.broadcast %add3A_422 : i32 to vector<16xi32>
        %add3A_424 = arith.addi %add3A_399, %add3A_423 : vector<16xi32>
        %gather3A_425 = arith.constant 0 : i32
        %gather3A_426 = arith.constant 0 : i32
        %gather3A_427 = tpu.memref_slice %arg14[%rem3A_54, %gather3A_425, %gather3A_426] : memref<2x336x128xf32, #tpu.memory_space<vmem>> -> memref<1x336x128xf32, #tpu.memory_space<vmem>>
        %gather3A_428 = tpu.memref_squeeze %gather3A_427 : memref<1x336x128xf32, #tpu.memory_space<vmem>> -> memref<336x128xf32, #tpu.memory_space<vmem>>
        %gather3A_429 = tpu.vector_load_idx %gather3A_428[%broadcast_in_dim3A_400, %add3A_424] : memref<336x128xf32, #tpu.memory_space<vmem>>[vector<16xi32>, vector<16xi32>], vector<16xf32>,
        %mul3A_430 = arith.mulf %gather3A_131, %gather3A_346 : vector<16xf32>
        %mul3A_431 = arith.mulf %gather3A_139, %gather3A_354 : vector<16xf32>
        %add3A_432 = arith.addf %mul3A_430, %mul3A_431 : vector<16xf32>
        %mul3A_433 = arith.mulf %gather3A_147, %gather3A_362 : vector<16xf32>
        %add3A_434 = arith.addf %add3A_432, %mul3A_433 : vector<16xf32>
        %mul3A_435 = arith.mulf %gather3A_155, %gather3A_370 : vector<16xf32>
        %add3A_436 = arith.addf %add3A_434, %mul3A_435 : vector<16xf32>
        %broadcast_in_dim3A_437 = arith.constant true
        %broadcast_in_dim3A_438 = vector.broadcast %broadcast_in_dim3A_437 : i1 to vector<16xi1>
        %masked_cumsum3A_439 = tpu.scan <sum>, %add3A_436 masked %broadcast_in_dim3A_438 : vector<16xf32>, vector<16xi1> -> vector<16xf32>
        tpu.vector_store_idx %arg15[%broadcast_in_dim3A_341], %masked_cumsum3A_439 masked %eq3A_8 : memref<336xf32, #tpu.memory_space<vmem>>[vector<16xi32>], vector<16xf32>, vector<16xi1>
        %mul3A_440 = arith.constant 21 : i32
        %mul3A_441 = arith.muli %scan3A_114, %mul3A_440 : i32
        %add3A_442 = arith.constant 5 : i32
        %add3A_443 = arith.addi %mul3A_441, %add3A_442 : i32
        %mul3A_444 = arith.constant 336 : i32
        %mul3A_445 = arith.muli %scan3A_53, %mul3A_444 : i32
        %add3A_446 = arith.addi %mul3A_445, %add3A_443 : i32
        %broadcast_in_dim3A_447 = vector.broadcast %add3A_446 : i32 to vector<16xi32>
        %gather3A_448 = tpu.vector_load_idx %arg11[%broadcast_in_dim3A_447] : memref<10752xi32, #tpu.memory_space<vmem>>[vector<16xi32>], vector<16xi32>,
        %shift_right_arithmetic3A_449 = arith.constant 12 : i32
        %shift_right_arithmetic3A_450 = vector.broadcast %shift_right_arithmetic3A_449 : i32 to vector<16xi32>
        %shift_right_arithmetic3A_451 = arith.shrsi %gather3A_448, %shift_right_arithmetic3A_450 : vector<16xi32>
        %and3A_452 = arith.constant 1 : i32
        %and3A_453 = vector.broadcast %and3A_452 : i32 to vector<16xi32>
        %and3A_454 = arith.andi %shift_right_arithmetic3A_451, %and3A_453 : vector<16xi32>
        %mul3A_455 = arith.constant 64 : i32
        %mul3A_456 = vector.broadcast %mul3A_455 : i32 to vector<16xi32>
        %mul3A_457 = arith.muli %and3A_454, %mul3A_456 : vector<16xi32>
        %add3A_458 = arith.addi %mul3A_457, %iota3A : vector<16xi32>
        %broadcast_in_dim3A_459 = vector.broadcast %add3A_443 : i32 to vector<16xi32>
        %gather3A_460 = arith.constant 0 : i32
        %gather3A_461 = arith.constant 0 : i32
        %gather3A_462 = tpu.memref_slice %arg14[%rem3A_54, %gather3A_460, %gather3A_461] : memref<2x336x128xf32, #tpu.memory_space<vmem>> -> memref<1x336x128xf32, #tpu.memory_space<vmem>>
        %gather3A_463 = tpu.memref_squeeze %gather3A_462 : memref<1x336x128xf32, #tpu.memory_space<vmem>> -> memref<336x128xf32, #tpu.memory_space<vmem>>
        %gather3A_464 = tpu.vector_load_idx %gather3A_463[%broadcast_in_dim3A_459, %add3A_458] : memref<336x128xf32, #tpu.memory_space<vmem>>[vector<16xi32>, vector<16xi32>], vector<16xf32>,
        %add3A_465 = arith.constant 16 : i32
        %add3A_466 = vector.broadcast %add3A_465 : i32 to vector<16xi32>
        %add3A_467 = arith.addi %add3A_458, %add3A_466 : vector<16xi32>
        %gather3A_468 = arith.constant 0 : i32
        %gather3A_469 = arith.constant 0 : i32
        %gather3A_470 = tpu.memref_slice %arg14[%rem3A_54, %gather3A_468, %gather3A_469] : memref<2x336x128xf32, #tpu.memory_space<vmem>> -> memref<1x336x128xf32, #tpu.memory_space<vmem>>
        %gather3A_471 = tpu.memref_squeeze %gather3A_470 : memref<1x336x128xf32, #tpu.memory_space<vmem>> -> memref<336x128xf32, #tpu.memory_space<vmem>>
        %gather3A_472 = tpu.vector_load_idx %gather3A_471[%broadcast_in_dim3A_459, %add3A_467] : memref<336x128xf32, #tpu.memory_space<vmem>>[vector<16xi32>, vector<16xi32>], vector<16xf32>,
        %add3A_473 = arith.constant 32 : i32
        %add3A_474 = vector.broadcast %add3A_473 : i32 to vector<16xi32>
        %add3A_475 = arith.addi %add3A_458, %add3A_474 : vector<16xi32>
        %gather3A_476 = arith.constant 0 : i32
        %gather3A_477 = arith.constant 0 : i32
        %gather3A_478 = tpu.memref_slice %arg14[%rem3A_54, %gather3A_476, %gather3A_477] : memref<2x336x128xf32, #tpu.memory_space<vmem>> -> memref<1x336x128xf32, #tpu.memory_space<vmem>>
        %gather3A_479 = tpu.memref_squeeze %gather3A_478 : memref<1x336x128xf32, #tpu.memory_space<vmem>> -> memref<336x128xf32, #tpu.memory_space<vmem>>
        %gather3A_480 = tpu.vector_load_idx %gather3A_479[%broadcast_in_dim3A_459, %add3A_475] : memref<336x128xf32, #tpu.memory_space<vmem>>[vector<16xi32>, vector<16xi32>], vector<16xf32>,
        %add3A_481 = arith.constant 48 : i32
        %add3A_482 = vector.broadcast %add3A_481 : i32 to vector<16xi32>
        %add3A_483 = arith.addi %add3A_458, %add3A_482 : vector<16xi32>
        %gather3A_484 = arith.constant 0 : i32
        %gather3A_485 = arith.constant 0 : i32
        %gather3A_486 = tpu.memref_slice %arg14[%rem3A_54, %gather3A_484, %gather3A_485] : memref<2x336x128xf32, #tpu.memory_space<vmem>> -> memref<1x336x128xf32, #tpu.memory_space<vmem>>
        %gather3A_487 = tpu.memref_squeeze %gather3A_486 : memref<1x336x128xf32, #tpu.memory_space<vmem>> -> memref<336x128xf32, #tpu.memory_space<vmem>>
        %gather3A_488 = tpu.vector_load_idx %gather3A_487[%broadcast_in_dim3A_459, %add3A_483] : memref<336x128xf32, #tpu.memory_space<vmem>>[vector<16xi32>, vector<16xi32>], vector<16xf32>,
        %mul3A_489 = arith.mulf %gather3A_131, %gather3A_405 : vector<16xf32>
        %mul3A_490 = arith.mulf %gather3A_139, %gather3A_413 : vector<16xf32>
        %add3A_491 = arith.addf %mul3A_489, %mul3A_490 : vector<16xf32>
        %mul3A_492 = arith.mulf %gather3A_147, %gather3A_421 : vector<16xf32>
        %add3A_493 = arith.addf %add3A_491, %mul3A_492 : vector<16xf32>
        %mul3A_494 = arith.mulf %gather3A_155, %gather3A_429 : vector<16xf32>
        %add3A_495 = arith.addf %add3A_493, %mul3A_494 : vector<16xf32>
        %broadcast_in_dim3A_496 = arith.constant true
        %broadcast_in_dim3A_497 = vector.broadcast %broadcast_in_dim3A_496 : i1 to vector<16xi1>
        %masked_cumsum3A_498 = tpu.scan <sum>, %add3A_495 masked %broadcast_in_dim3A_497 : vector<16xf32>, vector<16xi1> -> vector<16xf32>
        tpu.vector_store_idx %arg15[%broadcast_in_dim3A_400], %masked_cumsum3A_498 masked %eq3A_8 : memref<336xf32, #tpu.memory_space<vmem>>[vector<16xi32>], vector<16xf32>, vector<16xi1>
        %mul3A_499 = arith.constant 21 : i32
        %mul3A_500 = arith.muli %scan3A_114, %mul3A_499 : i32
        %add3A_501 = arith.constant 6 : i32
        %add3A_502 = arith.addi %mul3A_500, %add3A_501 : i32
        %mul3A_503 = arith.constant 336 : i32
        %mul3A_504 = arith.muli %scan3A_53, %mul3A_503 : i32
        %add3A_505 = arith.addi %mul3A_504, %add3A_502 : i32
        %broadcast_in_dim3A_506 = vector.broadcast %add3A_505 : i32 to vector<16xi32>
        %gather3A_507 = tpu.vector_load_idx %arg11[%broadcast_in_dim3A_506] : memref<10752xi32, #tpu.memory_space<vmem>>[vector<16xi32>], vector<16xi32>,
        %shift_right_arithmetic3A_508 = arith.constant 12 : i32
        %shift_right_arithmetic3A_509 = vector.broadcast %shift_right_arithmetic3A_508 : i32 to vector<16xi32>
        %shift_right_arithmetic3A_510 = arith.shrsi %gather3A_507, %shift_right_arithmetic3A_509 : vector<16xi32>
        %and3A_511 = arith.constant 1 : i32
        %and3A_512 = vector.broadcast %and3A_511 : i32 to vector<16xi32>
        %and3A_513 = arith.andi %shift_right_arithmetic3A_510, %and3A_512 : vector<16xi32>
        %mul3A_514 = arith.constant 64 : i32
        %mul3A_515 = vector.broadcast %mul3A_514 : i32 to vector<16xi32>
        %mul3A_516 = arith.muli %and3A_513, %mul3A_515 : vector<16xi32>
        %add3A_517 = arith.addi %mul3A_516, %iota3A : vector<16xi32>
        %broadcast_in_dim3A_518 = vector.broadcast %add3A_502 : i32 to vector<16xi32>
        %gather3A_519 = arith.constant 0 : i32
        %gather3A_520 = arith.constant 0 : i32
        %gather3A_521 = tpu.memref_slice %arg14[%rem3A_54, %gather3A_519, %gather3A_520] : memref<2x336x128xf32, #tpu.memory_space<vmem>> -> memref<1x336x128xf32, #tpu.memory_space<vmem>>
        %gather3A_522 = tpu.memref_squeeze %gather3A_521 : memref<1x336x128xf32, #tpu.memory_space<vmem>> -> memref<336x128xf32, #tpu.memory_space<vmem>>
        %gather3A_523 = tpu.vector_load_idx %gather3A_522[%broadcast_in_dim3A_518, %add3A_517] : memref<336x128xf32, #tpu.memory_space<vmem>>[vector<16xi32>, vector<16xi32>], vector<16xf32>,
        %add3A_524 = arith.constant 16 : i32
        %add3A_525 = vector.broadcast %add3A_524 : i32 to vector<16xi32>
        %add3A_526 = arith.addi %add3A_517, %add3A_525 : vector<16xi32>
        %gather3A_527 = arith.constant 0 : i32
        %gather3A_528 = arith.constant 0 : i32
        %gather3A_529 = tpu.memref_slice %arg14[%rem3A_54, %gather3A_527, %gather3A_528] : memref<2x336x128xf32, #tpu.memory_space<vmem>> -> memref<1x336x128xf32, #tpu.memory_space<vmem>>
        %gather3A_530 = tpu.memref_squeeze %gather3A_529 : memref<1x336x128xf32, #tpu.memory_space<vmem>> -> memref<336x128xf32, #tpu.memory_space<vmem>>
        %gather3A_531 = tpu.vector_load_idx %gather3A_530[%broadcast_in_dim3A_518, %add3A_526] : memref<336x128xf32, #tpu.memory_space<vmem>>[vector<16xi32>, vector<16xi32>], vector<16xf32>,
        %add3A_532 = arith.constant 32 : i32
        %add3A_533 = vector.broadcast %add3A_532 : i32 to vector<16xi32>
        %add3A_534 = arith.addi %add3A_517, %add3A_533 : vector<16xi32>
        %gather3A_535 = arith.constant 0 : i32
        %gather3A_536 = arith.constant 0 : i32
        %gather3A_537 = tpu.memref_slice %arg14[%rem3A_54, %gather3A_535, %gather3A_536] : memref<2x336x128xf32, #tpu.memory_space<vmem>> -> memref<1x336x128xf32, #tpu.memory_space<vmem>>
        %gather3A_538 = tpu.memref_squeeze %gather3A_537 : memref<1x336x128xf32, #tpu.memory_space<vmem>> -> memref<336x128xf32, #tpu.memory_space<vmem>>
        %gather3A_539 = tpu.vector_load_idx %gather3A_538[%broadcast_in_dim3A_518, %add3A_534] : memref<336x128xf32, #tpu.memory_space<vmem>>[vector<16xi32>, vector<16xi32>], vector<16xf32>,
        %add3A_540 = arith.constant 48 : i32
        %add3A_541 = vector.broadcast %add3A_540 : i32 to vector<16xi32>
        %add3A_542 = arith.addi %add3A_517, %add3A_541 : vector<16xi32>
        %gather3A_543 = arith.constant 0 : i32
        %gather3A_544 = arith.constant 0 : i32
        %gather3A_545 = tpu.memref_slice %arg14[%rem3A_54, %gather3A_543, %gather3A_544] : memref<2x336x128xf32, #tpu.memory_space<vmem>> -> memref<1x336x128xf32, #tpu.memory_space<vmem>>
        %gather3A_546 = tpu.memref_squeeze %gather3A_545 : memref<1x336x128xf32, #tpu.memory_space<vmem>> -> memref<336x128xf32, #tpu.memory_space<vmem>>
        %gather3A_547 = tpu.vector_load_idx %gather3A_546[%broadcast_in_dim3A_518, %add3A_542] : memref<336x128xf32, #tpu.memory_space<vmem>>[vector<16xi32>, vector<16xi32>], vector<16xf32>,
        %mul3A_548 = arith.mulf %gather3A_131, %gather3A_464 : vector<16xf32>
        %mul3A_549 = arith.mulf %gather3A_139, %gather3A_472 : vector<16xf32>
        %add3A_550 = arith.addf %mul3A_548, %mul3A_549 : vector<16xf32>
        %mul3A_551 = arith.mulf %gather3A_147, %gather3A_480 : vector<16xf32>
        %add3A_552 = arith.addf %add3A_550, %mul3A_551 : vector<16xf32>
        %mul3A_553 = arith.mulf %gather3A_155, %gather3A_488 : vector<16xf32>
        %add3A_554 = arith.addf %add3A_552, %mul3A_553 : vector<16xf32>
        %broadcast_in_dim3A_555 = arith.constant true
        %broadcast_in_dim3A_556 = vector.broadcast %broadcast_in_dim3A_555 : i1 to vector<16xi1>
        %masked_cumsum3A_557 = tpu.scan <sum>, %add3A_554 masked %broadcast_in_dim3A_556 : vector<16xf32>, vector<16xi1> -> vector<16xf32>
        tpu.vector_store_idx %arg15[%broadcast_in_dim3A_459], %masked_cumsum3A_557 masked %eq3A_8 : memref<336xf32, #tpu.memory_space<vmem>>[vector<16xi32>], vector<16xf32>, vector<16xi1>
        %mul3A_558 = arith.constant 21 : i32
        %mul3A_559 = arith.muli %scan3A_114, %mul3A_558 : i32
        %add3A_560 = arith.constant 7 : i32
        %add3A_561 = arith.addi %mul3A_559, %add3A_560 : i32
        %mul3A_562 = arith.constant 336 : i32
        %mul3A_563 = arith.muli %scan3A_53, %mul3A_562 : i32
        %add3A_564 = arith.addi %mul3A_563, %add3A_561 : i32
        %broadcast_in_dim3A_565 = vector.broadcast %add3A_564 : i32 to vector<16xi32>
        %gather3A_566 = tpu.vector_load_idx %arg11[%broadcast_in_dim3A_565] : memref<10752xi32, #tpu.memory_space<vmem>>[vector<16xi32>], vector<16xi32>,
        %shift_right_arithmetic3A_567 = arith.constant 12 : i32
        %shift_right_arithmetic3A_568 = vector.broadcast %shift_right_arithmetic3A_567 : i32 to vector<16xi32>
        %shift_right_arithmetic3A_569 = arith.shrsi %gather3A_566, %shift_right_arithmetic3A_568 : vector<16xi32>
        %and3A_570 = arith.constant 1 : i32
        %and3A_571 = vector.broadcast %and3A_570 : i32 to vector<16xi32>
        %and3A_572 = arith.andi %shift_right_arithmetic3A_569, %and3A_571 : vector<16xi32>
        %mul3A_573 = arith.constant 64 : i32
        %mul3A_574 = vector.broadcast %mul3A_573 : i32 to vector<16xi32>
        %mul3A_575 = arith.muli %and3A_572, %mul3A_574 : vector<16xi32>
        %add3A_576 = arith.addi %mul3A_575, %iota3A : vector<16xi32>
        %broadcast_in_dim3A_577 = vector.broadcast %add3A_561 : i32 to vector<16xi32>
        %gather3A_578 = arith.constant 0 : i32
        %gather3A_579 = arith.constant 0 : i32
        %gather3A_580 = tpu.memref_slice %arg14[%rem3A_54, %gather3A_578, %gather3A_579] : memref<2x336x128xf32, #tpu.memory_space<vmem>> -> memref<1x336x128xf32, #tpu.memory_space<vmem>>
        %gather3A_581 = tpu.memref_squeeze %gather3A_580 : memref<1x336x128xf32, #tpu.memory_space<vmem>> -> memref<336x128xf32, #tpu.memory_space<vmem>>
        %gather3A_582 = tpu.vector_load_idx %gather3A_581[%broadcast_in_dim3A_577, %add3A_576] : memref<336x128xf32, #tpu.memory_space<vmem>>[vector<16xi32>, vector<16xi32>], vector<16xf32>,
        %add3A_583 = arith.constant 16 : i32
        %add3A_584 = vector.broadcast %add3A_583 : i32 to vector<16xi32>
        %add3A_585 = arith.addi %add3A_576, %add3A_584 : vector<16xi32>
        %gather3A_586 = arith.constant 0 : i32
        %gather3A_587 = arith.constant 0 : i32
        %gather3A_588 = tpu.memref_slice %arg14[%rem3A_54, %gather3A_586, %gather3A_587] : memref<2x336x128xf32, #tpu.memory_space<vmem>> -> memref<1x336x128xf32, #tpu.memory_space<vmem>>
        %gather3A_589 = tpu.memref_squeeze %gather3A_588 : memref<1x336x128xf32, #tpu.memory_space<vmem>> -> memref<336x128xf32, #tpu.memory_space<vmem>>
        %gather3A_590 = tpu.vector_load_idx %gather3A_589[%broadcast_in_dim3A_577, %add3A_585] : memref<336x128xf32, #tpu.memory_space<vmem>>[vector<16xi32>, vector<16xi32>], vector<16xf32>,
        %add3A_591 = arith.constant 32 : i32
        %add3A_592 = vector.broadcast %add3A_591 : i32 to vector<16xi32>
        %add3A_593 = arith.addi %add3A_576, %add3A_592 : vector<16xi32>
        %gather3A_594 = arith.constant 0 : i32
        %gather3A_595 = arith.constant 0 : i32
        %gather3A_596 = tpu.memref_slice %arg14[%rem3A_54, %gather3A_594, %gather3A_595] : memref<2x336x128xf32, #tpu.memory_space<vmem>> -> memref<1x336x128xf32, #tpu.memory_space<vmem>>
        %gather3A_597 = tpu.memref_squeeze %gather3A_596 : memref<1x336x128xf32, #tpu.memory_space<vmem>> -> memref<336x128xf32, #tpu.memory_space<vmem>>
        %gather3A_598 = tpu.vector_load_idx %gather3A_597[%broadcast_in_dim3A_577, %add3A_593] : memref<336x128xf32, #tpu.memory_space<vmem>>[vector<16xi32>, vector<16xi32>], vector<16xf32>,
        %add3A_599 = arith.constant 48 : i32
        %add3A_600 = vector.broadcast %add3A_599 : i32 to vector<16xi32>
        %add3A_601 = arith.addi %add3A_576, %add3A_600 : vector<16xi32>
        %gather3A_602 = arith.constant 0 : i32
        %gather3A_603 = arith.constant 0 : i32
        %gather3A_604 = tpu.memref_slice %arg14[%rem3A_54, %gather3A_602, %gather3A_603] : memref<2x336x128xf32, #tpu.memory_space<vmem>> -> memref<1x336x128xf32, #tpu.memory_space<vmem>>
        %gather3A_605 = tpu.memref_squeeze %gather3A_604 : memref<1x336x128xf32, #tpu.memory_space<vmem>> -> memref<336x128xf32, #tpu.memory_space<vmem>>
        %gather3A_606 = tpu.vector_load_idx %gather3A_605[%broadcast_in_dim3A_577, %add3A_601] : memref<336x128xf32, #tpu.memory_space<vmem>>[vector<16xi32>, vector<16xi32>], vector<16xf32>,
        %mul3A_607 = arith.mulf %gather3A_131, %gather3A_523 : vector<16xf32>
        %mul3A_608 = arith.mulf %gather3A_139, %gather3A_531 : vector<16xf32>
        %add3A_609 = arith.addf %mul3A_607, %mul3A_608 : vector<16xf32>
        %mul3A_610 = arith.mulf %gather3A_147, %gather3A_539 : vector<16xf32>
        %add3A_611 = arith.addf %add3A_609, %mul3A_610 : vector<16xf32>
        %mul3A_612 = arith.mulf %gather3A_155, %gather3A_547 : vector<16xf32>
        %add3A_613 = arith.addf %add3A_611, %mul3A_612 : vector<16xf32>
        %broadcast_in_dim3A_614 = arith.constant true
        %broadcast_in_dim3A_615 = vector.broadcast %broadcast_in_dim3A_614 : i1 to vector<16xi1>
        %masked_cumsum3A_616 = tpu.scan <sum>, %add3A_613 masked %broadcast_in_dim3A_615 : vector<16xf32>, vector<16xi1> -> vector<16xf32>
        tpu.vector_store_idx %arg15[%broadcast_in_dim3A_518], %masked_cumsum3A_616 masked %eq3A_8 : memref<336xf32, #tpu.memory_space<vmem>>[vector<16xi32>], vector<16xf32>, vector<16xi1>
        %mul3A_617 = arith.constant 21 : i32
        %mul3A_618 = arith.muli %scan3A_114, %mul3A_617 : i32
        %add3A_619 = arith.constant 8 : i32
        %add3A_620 = arith.addi %mul3A_618, %add3A_619 : i32
        %mul3A_621 = arith.constant 336 : i32
        %mul3A_622 = arith.muli %scan3A_53, %mul3A_621 : i32
        %add3A_623 = arith.addi %mul3A_622, %add3A_620 : i32
        %broadcast_in_dim3A_624 = vector.broadcast %add3A_623 : i32 to vector<16xi32>
        %gather3A_625 = tpu.vector_load_idx %arg11[%broadcast_in_dim3A_624] : memref<10752xi32, #tpu.memory_space<vmem>>[vector<16xi32>], vector<16xi32>,
        %shift_right_arithmetic3A_626 = arith.constant 12 : i32
        %shift_right_arithmetic3A_627 = vector.broadcast %shift_right_arithmetic3A_626 : i32 to vector<16xi32>
        %shift_right_arithmetic3A_628 = arith.shrsi %gather3A_625, %shift_right_arithmetic3A_627 : vector<16xi32>
        %and3A_629 = arith.constant 1 : i32
        %and3A_630 = vector.broadcast %and3A_629 : i32 to vector<16xi32>
        %and3A_631 = arith.andi %shift_right_arithmetic3A_628, %and3A_630 : vector<16xi32>
        %mul3A_632 = arith.constant 64 : i32
        %mul3A_633 = vector.broadcast %mul3A_632 : i32 to vector<16xi32>
        %mul3A_634 = arith.muli %and3A_631, %mul3A_633 : vector<16xi32>
        %add3A_635 = arith.addi %mul3A_634, %iota3A : vector<16xi32>
        %broadcast_in_dim3A_636 = vector.broadcast %add3A_620 : i32 to vector<16xi32>
        %gather3A_637 = arith.constant 0 : i32
        %gather3A_638 = arith.constant 0 : i32
        %gather3A_639 = tpu.memref_slice %arg14[%rem3A_54, %gather3A_637, %gather3A_638] : memref<2x336x128xf32, #tpu.memory_space<vmem>> -> memref<1x336x128xf32, #tpu.memory_space<vmem>>
        %gather3A_640 = tpu.memref_squeeze %gather3A_639 : memref<1x336x128xf32, #tpu.memory_space<vmem>> -> memref<336x128xf32, #tpu.memory_space<vmem>>
        %gather3A_641 = tpu.vector_load_idx %gather3A_640[%broadcast_in_dim3A_636, %add3A_635] : memref<336x128xf32, #tpu.memory_space<vmem>>[vector<16xi32>, vector<16xi32>], vector<16xf32>,
        %add3A_642 = arith.constant 16 : i32
        %add3A_643 = vector.broadcast %add3A_642 : i32 to vector<16xi32>
        %add3A_644 = arith.addi %add3A_635, %add3A_643 : vector<16xi32>
        %gather3A_645 = arith.constant 0 : i32
        %gather3A_646 = arith.constant 0 : i32
        %gather3A_647 = tpu.memref_slice %arg14[%rem3A_54, %gather3A_645, %gather3A_646] : memref<2x336x128xf32, #tpu.memory_space<vmem>> -> memref<1x336x128xf32, #tpu.memory_space<vmem>>
        %gather3A_648 = tpu.memref_squeeze %gather3A_647 : memref<1x336x128xf32, #tpu.memory_space<vmem>> -> memref<336x128xf32, #tpu.memory_space<vmem>>
        %gather3A_649 = tpu.vector_load_idx %gather3A_648[%broadcast_in_dim3A_636, %add3A_644] : memref<336x128xf32, #tpu.memory_space<vmem>>[vector<16xi32>, vector<16xi32>], vector<16xf32>,
        %add3A_650 = arith.constant 32 : i32
        %add3A_651 = vector.broadcast %add3A_650 : i32 to vector<16xi32>
        %add3A_652 = arith.addi %add3A_635, %add3A_651 : vector<16xi32>
        %gather3A_653 = arith.constant 0 : i32
        %gather3A_654 = arith.constant 0 : i32
        %gather3A_655 = tpu.memref_slice %arg14[%rem3A_54, %gather3A_653, %gather3A_654] : memref<2x336x128xf32, #tpu.memory_space<vmem>> -> memref<1x336x128xf32, #tpu.memory_space<vmem>>
        %gather3A_656 = tpu.memref_squeeze %gather3A_655 : memref<1x336x128xf32, #tpu.memory_space<vmem>> -> memref<336x128xf32, #tpu.memory_space<vmem>>
        %gather3A_657 = tpu.vector_load_idx %gather3A_656[%broadcast_in_dim3A_636, %add3A_652] : memref<336x128xf32, #tpu.memory_space<vmem>>[vector<16xi32>, vector<16xi32>], vector<16xf32>,
        %add3A_658 = arith.constant 48 : i32
        %add3A_659 = vector.broadcast %add3A_658 : i32 to vector<16xi32>
        %add3A_660 = arith.addi %add3A_635, %add3A_659 : vector<16xi32>
        %gather3A_661 = arith.constant 0 : i32
        %gather3A_662 = arith.constant 0 : i32
        %gather3A_663 = tpu.memref_slice %arg14[%rem3A_54, %gather3A_661, %gather3A_662] : memref<2x336x128xf32, #tpu.memory_space<vmem>> -> memref<1x336x128xf32, #tpu.memory_space<vmem>>
        %gather3A_664 = tpu.memref_squeeze %gather3A_663 : memref<1x336x128xf32, #tpu.memory_space<vmem>> -> memref<336x128xf32, #tpu.memory_space<vmem>>
        %gather3A_665 = tpu.vector_load_idx %gather3A_664[%broadcast_in_dim3A_636, %add3A_660] : memref<336x128xf32, #tpu.memory_space<vmem>>[vector<16xi32>, vector<16xi32>], vector<16xf32>,
        %mul3A_666 = arith.mulf %gather3A_131, %gather3A_582 : vector<16xf32>
        %mul3A_667 = arith.mulf %gather3A_139, %gather3A_590 : vector<16xf32>
        %add3A_668 = arith.addf %mul3A_666, %mul3A_667 : vector<16xf32>
        %mul3A_669 = arith.mulf %gather3A_147, %gather3A_598 : vector<16xf32>
        %add3A_670 = arith.addf %add3A_668, %mul3A_669 : vector<16xf32>
        %mul3A_671 = arith.mulf %gather3A_155, %gather3A_606 : vector<16xf32>
        %add3A_672 = arith.addf %add3A_670, %mul3A_671 : vector<16xf32>
        %broadcast_in_dim3A_673 = arith.constant true
        %broadcast_in_dim3A_674 = vector.broadcast %broadcast_in_dim3A_673 : i1 to vector<16xi1>
        %masked_cumsum3A_675 = tpu.scan <sum>, %add3A_672 masked %broadcast_in_dim3A_674 : vector<16xf32>, vector<16xi1> -> vector<16xf32>
        tpu.vector_store_idx %arg15[%broadcast_in_dim3A_577], %masked_cumsum3A_675 masked %eq3A_8 : memref<336xf32, #tpu.memory_space<vmem>>[vector<16xi32>], vector<16xf32>, vector<16xi1>
        %mul3A_676 = arith.constant 21 : i32
        %mul3A_677 = arith.muli %scan3A_114, %mul3A_676 : i32
        %add3A_678 = arith.constant 9 : i32
        %add3A_679 = arith.addi %mul3A_677, %add3A_678 : i32
        %mul3A_680 = arith.constant 336 : i32
        %mul3A_681 = arith.muli %scan3A_53, %mul3A_680 : i32
        %add3A_682 = arith.addi %mul3A_681, %add3A_679 : i32
        %broadcast_in_dim3A_683 = vector.broadcast %add3A_682 : i32 to vector<16xi32>
        %gather3A_684 = tpu.vector_load_idx %arg11[%broadcast_in_dim3A_683] : memref<10752xi32, #tpu.memory_space<vmem>>[vector<16xi32>], vector<16xi32>,
        %shift_right_arithmetic3A_685 = arith.constant 12 : i32
        %shift_right_arithmetic3A_686 = vector.broadcast %shift_right_arithmetic3A_685 : i32 to vector<16xi32>
        %shift_right_arithmetic3A_687 = arith.shrsi %gather3A_684, %shift_right_arithmetic3A_686 : vector<16xi32>
        %and3A_688 = arith.constant 1 : i32
        %and3A_689 = vector.broadcast %and3A_688 : i32 to vector<16xi32>
        %and3A_690 = arith.andi %shift_right_arithmetic3A_687, %and3A_689 : vector<16xi32>
        %mul3A_691 = arith.constant 64 : i32
        %mul3A_692 = vector.broadcast %mul3A_691 : i32 to vector<16xi32>
        %mul3A_693 = arith.muli %and3A_690, %mul3A_692 : vector<16xi32>
        %add3A_694 = arith.addi %mul3A_693, %iota3A : vector<16xi32>
        %broadcast_in_dim3A_695 = vector.broadcast %add3A_679 : i32 to vector<16xi32>
        %gather3A_696 = arith.constant 0 : i32
        %gather3A_697 = arith.constant 0 : i32
        %gather3A_698 = tpu.memref_slice %arg14[%rem3A_54, %gather3A_696, %gather3A_697] : memref<2x336x128xf32, #tpu.memory_space<vmem>> -> memref<1x336x128xf32, #tpu.memory_space<vmem>>
        %gather3A_699 = tpu.memref_squeeze %gather3A_698 : memref<1x336x128xf32, #tpu.memory_space<vmem>> -> memref<336x128xf32, #tpu.memory_space<vmem>>
        %gather3A_700 = tpu.vector_load_idx %gather3A_699[%broadcast_in_dim3A_695, %add3A_694] : memref<336x128xf32, #tpu.memory_space<vmem>>[vector<16xi32>, vector<16xi32>], vector<16xf32>,
        %add3A_701 = arith.constant 16 : i32
        %add3A_702 = vector.broadcast %add3A_701 : i32 to vector<16xi32>
        %add3A_703 = arith.addi %add3A_694, %add3A_702 : vector<16xi32>
        %gather3A_704 = arith.constant 0 : i32
        %gather3A_705 = arith.constant 0 : i32
        %gather3A_706 = tpu.memref_slice %arg14[%rem3A_54, %gather3A_704, %gather3A_705] : memref<2x336x128xf32, #tpu.memory_space<vmem>> -> memref<1x336x128xf32, #tpu.memory_space<vmem>>
        %gather3A_707 = tpu.memref_squeeze %gather3A_706 : memref<1x336x128xf32, #tpu.memory_space<vmem>> -> memref<336x128xf32, #tpu.memory_space<vmem>>
        %gather3A_708 = tpu.vector_load_idx %gather3A_707[%broadcast_in_dim3A_695, %add3A_703] : memref<336x128xf32, #tpu.memory_space<vmem>>[vector<16xi32>, vector<16xi32>], vector<16xf32>,
        %add3A_709 = arith.constant 32 : i32
        %add3A_710 = vector.broadcast %add3A_709 : i32 to vector<16xi32>
        %add3A_711 = arith.addi %add3A_694, %add3A_710 : vector<16xi32>
        %gather3A_712 = arith.constant 0 : i32
        %gather3A_713 = arith.constant 0 : i32
        %gather3A_714 = tpu.memref_slice %arg14[%rem3A_54, %gather3A_712, %gather3A_713] : memref<2x336x128xf32, #tpu.memory_space<vmem>> -> memref<1x336x128xf32, #tpu.memory_space<vmem>>
        %gather3A_715 = tpu.memref_squeeze %gather3A_714 : memref<1x336x128xf32, #tpu.memory_space<vmem>> -> memref<336x128xf32, #tpu.memory_space<vmem>>
        %gather3A_716 = tpu.vector_load_idx %gather3A_715[%broadcast_in_dim3A_695, %add3A_711] : memref<336x128xf32, #tpu.memory_space<vmem>>[vector<16xi32>, vector<16xi32>], vector<16xf32>,
        %add3A_717 = arith.constant 48 : i32
        %add3A_718 = vector.broadcast %add3A_717 : i32 to vector<16xi32>
        %add3A_719 = arith.addi %add3A_694, %add3A_718 : vector<16xi32>
        %gather3A_720 = arith.constant 0 : i32
        %gather3A_721 = arith.constant 0 : i32
        %gather3A_722 = tpu.memref_slice %arg14[%rem3A_54, %gather3A_720, %gather3A_721] : memref<2x336x128xf32, #tpu.memory_space<vmem>> -> memref<1x336x128xf32, #tpu.memory_space<vmem>>
        %gather3A_723 = tpu.memref_squeeze %gather3A_722 : memref<1x336x128xf32, #tpu.memory_space<vmem>> -> memref<336x128xf32, #tpu.memory_space<vmem>>
        %gather3A_724 = tpu.vector_load_idx %gather3A_723[%broadcast_in_dim3A_695, %add3A_719] : memref<336x128xf32, #tpu.memory_space<vmem>>[vector<16xi32>, vector<16xi32>], vector<16xf32>,
        %mul3A_725 = arith.mulf %gather3A_131, %gather3A_641 : vector<16xf32>
        %mul3A_726 = arith.mulf %gather3A_139, %gather3A_649 : vector<16xf32>
        %add3A_727 = arith.addf %mul3A_725, %mul3A_726 : vector<16xf32>
        %mul3A_728 = arith.mulf %gather3A_147, %gather3A_657 : vector<16xf32>
        %add3A_729 = arith.addf %add3A_727, %mul3A_728 : vector<16xf32>
        %mul3A_730 = arith.mulf %gather3A_155, %gather3A_665 : vector<16xf32>
        %add3A_731 = arith.addf %add3A_729, %mul3A_730 : vector<16xf32>
        %broadcast_in_dim3A_732 = arith.constant true
        %broadcast_in_dim3A_733 = vector.broadcast %broadcast_in_dim3A_732 : i1 to vector<16xi1>
        %masked_cumsum3A_734 = tpu.scan <sum>, %add3A_731 masked %broadcast_in_dim3A_733 : vector<16xf32>, vector<16xi1> -> vector<16xf32>
        tpu.vector_store_idx %arg15[%broadcast_in_dim3A_636], %masked_cumsum3A_734 masked %eq3A_8 : memref<336xf32, #tpu.memory_space<vmem>>[vector<16xi32>], vector<16xf32>, vector<16xi1>
        %mul3A_735 = arith.constant 21 : i32
        %mul3A_736 = arith.muli %scan3A_114, %mul3A_735 : i32
        %add3A_737 = arith.constant 10 : i32
        %add3A_738 = arith.addi %mul3A_736, %add3A_737 : i32
        %mul3A_739 = arith.constant 336 : i32
        %mul3A_740 = arith.muli %scan3A_53, %mul3A_739 : i32
        %add3A_741 = arith.addi %mul3A_740, %add3A_738 : i32
        %broadcast_in_dim3A_742 = vector.broadcast %add3A_741 : i32 to vector<16xi32>
        %gather3A_743 = tpu.vector_load_idx %arg11[%broadcast_in_dim3A_742] : memref<10752xi32, #tpu.memory_space<vmem>>[vector<16xi32>], vector<16xi32>,
        %shift_right_arithmetic3A_744 = arith.constant 12 : i32
        %shift_right_arithmetic3A_745 = vector.broadcast %shift_right_arithmetic3A_744 : i32 to vector<16xi32>
        %shift_right_arithmetic3A_746 = arith.shrsi %gather3A_743, %shift_right_arithmetic3A_745 : vector<16xi32>
        %and3A_747 = arith.constant 1 : i32
        %and3A_748 = vector.broadcast %and3A_747 : i32 to vector<16xi32>
        %and3A_749 = arith.andi %shift_right_arithmetic3A_746, %and3A_748 : vector<16xi32>
        %mul3A_750 = arith.constant 64 : i32
        %mul3A_751 = vector.broadcast %mul3A_750 : i32 to vector<16xi32>
        %mul3A_752 = arith.muli %and3A_749, %mul3A_751 : vector<16xi32>
        %add3A_753 = arith.addi %mul3A_752, %iota3A : vector<16xi32>
        %broadcast_in_dim3A_754 = vector.broadcast %add3A_738 : i32 to vector<16xi32>
        %gather3A_755 = arith.constant 0 : i32
        %gather3A_756 = arith.constant 0 : i32
        %gather3A_757 = tpu.memref_slice %arg14[%rem3A_54, %gather3A_755, %gather3A_756] : memref<2x336x128xf32, #tpu.memory_space<vmem>> -> memref<1x336x128xf32, #tpu.memory_space<vmem>>
        %gather3A_758 = tpu.memref_squeeze %gather3A_757 : memref<1x336x128xf32, #tpu.memory_space<vmem>> -> memref<336x128xf32, #tpu.memory_space<vmem>>
        %gather3A_759 = tpu.vector_load_idx %gather3A_758[%broadcast_in_dim3A_754, %add3A_753] : memref<336x128xf32, #tpu.memory_space<vmem>>[vector<16xi32>, vector<16xi32>], vector<16xf32>,
        %add3A_760 = arith.constant 16 : i32
        %add3A_761 = vector.broadcast %add3A_760 : i32 to vector<16xi32>
        %add3A_762 = arith.addi %add3A_753, %add3A_761 : vector<16xi32>
        %gather3A_763 = arith.constant 0 : i32
        %gather3A_764 = arith.constant 0 : i32
        %gather3A_765 = tpu.memref_slice %arg14[%rem3A_54, %gather3A_763, %gather3A_764] : memref<2x336x128xf32, #tpu.memory_space<vmem>> -> memref<1x336x128xf32, #tpu.memory_space<vmem>>
        %gather3A_766 = tpu.memref_squeeze %gather3A_765 : memref<1x336x128xf32, #tpu.memory_space<vmem>> -> memref<336x128xf32, #tpu.memory_space<vmem>>
        %gather3A_767 = tpu.vector_load_idx %gather3A_766[%broadcast_in_dim3A_754, %add3A_762] : memref<336x128xf32, #tpu.memory_space<vmem>>[vector<16xi32>, vector<16xi32>], vector<16xf32>,
        %add3A_768 = arith.constant 32 : i32
        %add3A_769 = vector.broadcast %add3A_768 : i32 to vector<16xi32>
        %add3A_770 = arith.addi %add3A_753, %add3A_769 : vector<16xi32>
        %gather3A_771 = arith.constant 0 : i32
        %gather3A_772 = arith.constant 0 : i32
        %gather3A_773 = tpu.memref_slice %arg14[%rem3A_54, %gather3A_771, %gather3A_772] : memref<2x336x128xf32, #tpu.memory_space<vmem>> -> memref<1x336x128xf32, #tpu.memory_space<vmem>>
        %gather3A_774 = tpu.memref_squeeze %gather3A_773 : memref<1x336x128xf32, #tpu.memory_space<vmem>> -> memref<336x128xf32, #tpu.memory_space<vmem>>
        %gather3A_775 = tpu.vector_load_idx %gather3A_774[%broadcast_in_dim3A_754, %add3A_770] : memref<336x128xf32, #tpu.memory_space<vmem>>[vector<16xi32>, vector<16xi32>], vector<16xf32>,
        %add3A_776 = arith.constant 48 : i32
        %add3A_777 = vector.broadcast %add3A_776 : i32 to vector<16xi32>
        %add3A_778 = arith.addi %add3A_753, %add3A_777 : vector<16xi32>
        %gather3A_779 = arith.constant 0 : i32
        %gather3A_780 = arith.constant 0 : i32
        %gather3A_781 = tpu.memref_slice %arg14[%rem3A_54, %gather3A_779, %gather3A_780] : memref<2x336x128xf32, #tpu.memory_space<vmem>> -> memref<1x336x128xf32, #tpu.memory_space<vmem>>
        %gather3A_782 = tpu.memref_squeeze %gather3A_781 : memref<1x336x128xf32, #tpu.memory_space<vmem>> -> memref<336x128xf32, #tpu.memory_space<vmem>>
        %gather3A_783 = tpu.vector_load_idx %gather3A_782[%broadcast_in_dim3A_754, %add3A_778] : memref<336x128xf32, #tpu.memory_space<vmem>>[vector<16xi32>, vector<16xi32>], vector<16xf32>,
        %mul3A_784 = arith.mulf %gather3A_131, %gather3A_700 : vector<16xf32>
        %mul3A_785 = arith.mulf %gather3A_139, %gather3A_708 : vector<16xf32>
        %add3A_786 = arith.addf %mul3A_784, %mul3A_785 : vector<16xf32>
        %mul3A_787 = arith.mulf %gather3A_147, %gather3A_716 : vector<16xf32>
        %add3A_788 = arith.addf %add3A_786, %mul3A_787 : vector<16xf32>
        %mul3A_789 = arith.mulf %gather3A_155, %gather3A_724 : vector<16xf32>
        %add3A_790 = arith.addf %add3A_788, %mul3A_789 : vector<16xf32>
        %broadcast_in_dim3A_791 = arith.constant true
        %broadcast_in_dim3A_792 = vector.broadcast %broadcast_in_dim3A_791 : i1 to vector<16xi1>
        %masked_cumsum3A_793 = tpu.scan <sum>, %add3A_790 masked %broadcast_in_dim3A_792 : vector<16xf32>, vector<16xi1> -> vector<16xf32>
        tpu.vector_store_idx %arg15[%broadcast_in_dim3A_695], %masked_cumsum3A_793 masked %eq3A_8 : memref<336xf32, #tpu.memory_space<vmem>>[vector<16xi32>], vector<16xf32>, vector<16xi1>
        %mul3A_794 = arith.constant 21 : i32
        %mul3A_795 = arith.muli %scan3A_114, %mul3A_794 : i32
        %add3A_796 = arith.constant 11 : i32
        %add3A_797 = arith.addi %mul3A_795, %add3A_796 : i32
        %mul3A_798 = arith.constant 336 : i32
        %mul3A_799 = arith.muli %scan3A_53, %mul3A_798 : i32
        %add3A_800 = arith.addi %mul3A_799, %add3A_797 : i32
        %broadcast_in_dim3A_801 = vector.broadcast %add3A_800 : i32 to vector<16xi32>
        %gather3A_802 = tpu.vector_load_idx %arg11[%broadcast_in_dim3A_801] : memref<10752xi32, #tpu.memory_space<vmem>>[vector<16xi32>], vector<16xi32>,
        %shift_right_arithmetic3A_803 = arith.constant 12 : i32
        %shift_right_arithmetic3A_804 = vector.broadcast %shift_right_arithmetic3A_803 : i32 to vector<16xi32>
        %shift_right_arithmetic3A_805 = arith.shrsi %gather3A_802, %shift_right_arithmetic3A_804 : vector<16xi32>
        %and3A_806 = arith.constant 1 : i32
        %and3A_807 = vector.broadcast %and3A_806 : i32 to vector<16xi32>
        %and3A_808 = arith.andi %shift_right_arithmetic3A_805, %and3A_807 : vector<16xi32>
        %mul3A_809 = arith.constant 64 : i32
        %mul3A_810 = vector.broadcast %mul3A_809 : i32 to vector<16xi32>
        %mul3A_811 = arith.muli %and3A_808, %mul3A_810 : vector<16xi32>
        %add3A_812 = arith.addi %mul3A_811, %iota3A : vector<16xi32>
        %broadcast_in_dim3A_813 = vector.broadcast %add3A_797 : i32 to vector<16xi32>
        %gather3A_814 = arith.constant 0 : i32
        %gather3A_815 = arith.constant 0 : i32
        %gather3A_816 = tpu.memref_slice %arg14[%rem3A_54, %gather3A_814, %gather3A_815] : memref<2x336x128xf32, #tpu.memory_space<vmem>> -> memref<1x336x128xf32, #tpu.memory_space<vmem>>
        %gather3A_817 = tpu.memref_squeeze %gather3A_816 : memref<1x336x128xf32, #tpu.memory_space<vmem>> -> memref<336x128xf32, #tpu.memory_space<vmem>>
        %gather3A_818 = tpu.vector_load_idx %gather3A_817[%broadcast_in_dim3A_813, %add3A_812] : memref<336x128xf32, #tpu.memory_space<vmem>>[vector<16xi32>, vector<16xi32>], vector<16xf32>,
        %add3A_819 = arith.constant 16 : i32
        %add3A_820 = vector.broadcast %add3A_819 : i32 to vector<16xi32>
        %add3A_821 = arith.addi %add3A_812, %add3A_820 : vector<16xi32>
        %gather3A_822 = arith.constant 0 : i32
        %gather3A_823 = arith.constant 0 : i32
        %gather3A_824 = tpu.memref_slice %arg14[%rem3A_54, %gather3A_822, %gather3A_823] : memref<2x336x128xf32, #tpu.memory_space<vmem>> -> memref<1x336x128xf32, #tpu.memory_space<vmem>>
        %gather3A_825 = tpu.memref_squeeze %gather3A_824 : memref<1x336x128xf32, #tpu.memory_space<vmem>> -> memref<336x128xf32, #tpu.memory_space<vmem>>
        %gather3A_826 = tpu.vector_load_idx %gather3A_825[%broadcast_in_dim3A_813, %add3A_821] : memref<336x128xf32, #tpu.memory_space<vmem>>[vector<16xi32>, vector<16xi32>], vector<16xf32>,
        %add3A_827 = arith.constant 32 : i32
        %add3A_828 = vector.broadcast %add3A_827 : i32 to vector<16xi32>
        %add3A_829 = arith.addi %add3A_812, %add3A_828 : vector<16xi32>
        %gather3A_830 = arith.constant 0 : i32
        %gather3A_831 = arith.constant 0 : i32
        %gather3A_832 = tpu.memref_slice %arg14[%rem3A_54, %gather3A_830, %gather3A_831] : memref<2x336x128xf32, #tpu.memory_space<vmem>> -> memref<1x336x128xf32, #tpu.memory_space<vmem>>
        %gather3A_833 = tpu.memref_squeeze %gather3A_832 : memref<1x336x128xf32, #tpu.memory_space<vmem>> -> memref<336x128xf32, #tpu.memory_space<vmem>>
        %gather3A_834 = tpu.vector_load_idx %gather3A_833[%broadcast_in_dim3A_813, %add3A_829] : memref<336x128xf32, #tpu.memory_space<vmem>>[vector<16xi32>, vector<16xi32>], vector<16xf32>,
        %add3A_835 = arith.constant 48 : i32
        %add3A_836 = vector.broadcast %add3A_835 : i32 to vector<16xi32>
        %add3A_837 = arith.addi %add3A_812, %add3A_836 : vector<16xi32>
        %gather3A_838 = arith.constant 0 : i32
        %gather3A_839 = arith.constant 0 : i32
        %gather3A_840 = tpu.memref_slice %arg14[%rem3A_54, %gather3A_838, %gather3A_839] : memref<2x336x128xf32, #tpu.memory_space<vmem>> -> memref<1x336x128xf32, #tpu.memory_space<vmem>>
        %gather3A_841 = tpu.memref_squeeze %gather3A_840 : memref<1x336x128xf32, #tpu.memory_space<vmem>> -> memref<336x128xf32, #tpu.memory_space<vmem>>
        %gather3A_842 = tpu.vector_load_idx %gather3A_841[%broadcast_in_dim3A_813, %add3A_837] : memref<336x128xf32, #tpu.memory_space<vmem>>[vector<16xi32>, vector<16xi32>], vector<16xf32>,
        %mul3A_843 = arith.mulf %gather3A_131, %gather3A_759 : vector<16xf32>
        %mul3A_844 = arith.mulf %gather3A_139, %gather3A_767 : vector<16xf32>
        %add3A_845 = arith.addf %mul3A_843, %mul3A_844 : vector<16xf32>
        %mul3A_846 = arith.mulf %gather3A_147, %gather3A_775 : vector<16xf32>
        %add3A_847 = arith.addf %add3A_845, %mul3A_846 : vector<16xf32>
        %mul3A_848 = arith.mulf %gather3A_155, %gather3A_783 : vector<16xf32>
        %add3A_849 = arith.addf %add3A_847, %mul3A_848 : vector<16xf32>
        %broadcast_in_dim3A_850 = arith.constant true
        %broadcast_in_dim3A_851 = vector.broadcast %broadcast_in_dim3A_850 : i1 to vector<16xi1>
        %masked_cumsum3A_852 = tpu.scan <sum>, %add3A_849 masked %broadcast_in_dim3A_851 : vector<16xf32>, vector<16xi1> -> vector<16xf32>
        tpu.vector_store_idx %arg15[%broadcast_in_dim3A_754], %masked_cumsum3A_852 masked %eq3A_8 : memref<336xf32, #tpu.memory_space<vmem>>[vector<16xi32>], vector<16xf32>, vector<16xi1>
        %mul3A_853 = arith.constant 21 : i32
        %mul3A_854 = arith.muli %scan3A_114, %mul3A_853 : i32
        %add3A_855 = arith.constant 12 : i32
        %add3A_856 = arith.addi %mul3A_854, %add3A_855 : i32
        %mul3A_857 = arith.constant 336 : i32
        %mul3A_858 = arith.muli %scan3A_53, %mul3A_857 : i32
        %add3A_859 = arith.addi %mul3A_858, %add3A_856 : i32
        %broadcast_in_dim3A_860 = vector.broadcast %add3A_859 : i32 to vector<16xi32>
        %gather3A_861 = tpu.vector_load_idx %arg11[%broadcast_in_dim3A_860] : memref<10752xi32, #tpu.memory_space<vmem>>[vector<16xi32>], vector<16xi32>,
        %shift_right_arithmetic3A_862 = arith.constant 12 : i32
        %shift_right_arithmetic3A_863 = vector.broadcast %shift_right_arithmetic3A_862 : i32 to vector<16xi32>
        %shift_right_arithmetic3A_864 = arith.shrsi %gather3A_861, %shift_right_arithmetic3A_863 : vector<16xi32>
        %and3A_865 = arith.constant 1 : i32
        %and3A_866 = vector.broadcast %and3A_865 : i32 to vector<16xi32>
        %and3A_867 = arith.andi %shift_right_arithmetic3A_864, %and3A_866 : vector<16xi32>
        %mul3A_868 = arith.constant 64 : i32
        %mul3A_869 = vector.broadcast %mul3A_868 : i32 to vector<16xi32>
        %mul3A_870 = arith.muli %and3A_867, %mul3A_869 : vector<16xi32>
        %add3A_871 = arith.addi %mul3A_870, %iota3A : vector<16xi32>
        %broadcast_in_dim3A_872 = vector.broadcast %add3A_856 : i32 to vector<16xi32>
        %gather3A_873 = arith.constant 0 : i32
        %gather3A_874 = arith.constant 0 : i32
        %gather3A_875 = tpu.memref_slice %arg14[%rem3A_54, %gather3A_873, %gather3A_874] : memref<2x336x128xf32, #tpu.memory_space<vmem>> -> memref<1x336x128xf32, #tpu.memory_space<vmem>>
        %gather3A_876 = tpu.memref_squeeze %gather3A_875 : memref<1x336x128xf32, #tpu.memory_space<vmem>> -> memref<336x128xf32, #tpu.memory_space<vmem>>
        %gather3A_877 = tpu.vector_load_idx %gather3A_876[%broadcast_in_dim3A_872, %add3A_871] : memref<336x128xf32, #tpu.memory_space<vmem>>[vector<16xi32>, vector<16xi32>], vector<16xf32>,
        %add3A_878 = arith.constant 16 : i32
        %add3A_879 = vector.broadcast %add3A_878 : i32 to vector<16xi32>
        %add3A_880 = arith.addi %add3A_871, %add3A_879 : vector<16xi32>
        %gather3A_881 = arith.constant 0 : i32
        %gather3A_882 = arith.constant 0 : i32
        %gather3A_883 = tpu.memref_slice %arg14[%rem3A_54, %gather3A_881, %gather3A_882] : memref<2x336x128xf32, #tpu.memory_space<vmem>> -> memref<1x336x128xf32, #tpu.memory_space<vmem>>
        %gather3A_884 = tpu.memref_squeeze %gather3A_883 : memref<1x336x128xf32, #tpu.memory_space<vmem>> -> memref<336x128xf32, #tpu.memory_space<vmem>>
        %gather3A_885 = tpu.vector_load_idx %gather3A_884[%broadcast_in_dim3A_872, %add3A_880] : memref<336x128xf32, #tpu.memory_space<vmem>>[vector<16xi32>, vector<16xi32>], vector<16xf32>,
        %add3A_886 = arith.constant 32 : i32
        %add3A_887 = vector.broadcast %add3A_886 : i32 to vector<16xi32>
        %add3A_888 = arith.addi %add3A_871, %add3A_887 : vector<16xi32>
        %gather3A_889 = arith.constant 0 : i32
        %gather3A_890 = arith.constant 0 : i32
        %gather3A_891 = tpu.memref_slice %arg14[%rem3A_54, %gather3A_889, %gather3A_890] : memref<2x336x128xf32, #tpu.memory_space<vmem>> -> memref<1x336x128xf32, #tpu.memory_space<vmem>>
        %gather3A_892 = tpu.memref_squeeze %gather3A_891 : memref<1x336x128xf32, #tpu.memory_space<vmem>> -> memref<336x128xf32, #tpu.memory_space<vmem>>
        %gather3A_893 = tpu.vector_load_idx %gather3A_892[%broadcast_in_dim3A_872, %add3A_888] : memref<336x128xf32, #tpu.memory_space<vmem>>[vector<16xi32>, vector<16xi32>], vector<16xf32>,
        %add3A_894 = arith.constant 48 : i32
        %add3A_895 = vector.broadcast %add3A_894 : i32 to vector<16xi32>
        %add3A_896 = arith.addi %add3A_871, %add3A_895 : vector<16xi32>
        %gather3A_897 = arith.constant 0 : i32
        %gather3A_898 = arith.constant 0 : i32
        %gather3A_899 = tpu.memref_slice %arg14[%rem3A_54, %gather3A_897, %gather3A_898] : memref<2x336x128xf32, #tpu.memory_space<vmem>> -> memref<1x336x128xf32, #tpu.memory_space<vmem>>
        %gather3A_900 = tpu.memref_squeeze %gather3A_899 : memref<1x336x128xf32, #tpu.memory_space<vmem>> -> memref<336x128xf32, #tpu.memory_space<vmem>>
        %gather3A_901 = tpu.vector_load_idx %gather3A_900[%broadcast_in_dim3A_872, %add3A_896] : memref<336x128xf32, #tpu.memory_space<vmem>>[vector<16xi32>, vector<16xi32>], vector<16xf32>,
        %mul3A_902 = arith.mulf %gather3A_131, %gather3A_818 : vector<16xf32>
        %mul3A_903 = arith.mulf %gather3A_139, %gather3A_826 : vector<16xf32>
        %add3A_904 = arith.addf %mul3A_902, %mul3A_903 : vector<16xf32>
        %mul3A_905 = arith.mulf %gather3A_147, %gather3A_834 : vector<16xf32>
        %add3A_906 = arith.addf %add3A_904, %mul3A_905 : vector<16xf32>
        %mul3A_907 = arith.mulf %gather3A_155, %gather3A_842 : vector<16xf32>
        %add3A_908 = arith.addf %add3A_906, %mul3A_907 : vector<16xf32>
        %broadcast_in_dim3A_909 = arith.constant true
        %broadcast_in_dim3A_910 = vector.broadcast %broadcast_in_dim3A_909 : i1 to vector<16xi1>
        %masked_cumsum3A_911 = tpu.scan <sum>, %add3A_908 masked %broadcast_in_dim3A_910 : vector<16xf32>, vector<16xi1> -> vector<16xf32>
        tpu.vector_store_idx %arg15[%broadcast_in_dim3A_813], %masked_cumsum3A_911 masked %eq3A_8 : memref<336xf32, #tpu.memory_space<vmem>>[vector<16xi32>], vector<16xf32>, vector<16xi1>
        %mul3A_912 = arith.constant 21 : i32
        %mul3A_913 = arith.muli %scan3A_114, %mul3A_912 : i32
        %add3A_914 = arith.constant 13 : i32
        %add3A_915 = arith.addi %mul3A_913, %add3A_914 : i32
        %mul3A_916 = arith.constant 336 : i32
        %mul3A_917 = arith.muli %scan3A_53, %mul3A_916 : i32
        %add3A_918 = arith.addi %mul3A_917, %add3A_915 : i32
        %broadcast_in_dim3A_919 = vector.broadcast %add3A_918 : i32 to vector<16xi32>
        %gather3A_920 = tpu.vector_load_idx %arg11[%broadcast_in_dim3A_919] : memref<10752xi32, #tpu.memory_space<vmem>>[vector<16xi32>], vector<16xi32>,
        %shift_right_arithmetic3A_921 = arith.constant 12 : i32
        %shift_right_arithmetic3A_922 = vector.broadcast %shift_right_arithmetic3A_921 : i32 to vector<16xi32>
        %shift_right_arithmetic3A_923 = arith.shrsi %gather3A_920, %shift_right_arithmetic3A_922 : vector<16xi32>
        %and3A_924 = arith.constant 1 : i32
        %and3A_925 = vector.broadcast %and3A_924 : i32 to vector<16xi32>
        %and3A_926 = arith.andi %shift_right_arithmetic3A_923, %and3A_925 : vector<16xi32>
        %mul3A_927 = arith.constant 64 : i32
        %mul3A_928 = vector.broadcast %mul3A_927 : i32 to vector<16xi32>
        %mul3A_929 = arith.muli %and3A_926, %mul3A_928 : vector<16xi32>
        %add3A_930 = arith.addi %mul3A_929, %iota3A : vector<16xi32>
        %broadcast_in_dim3A_931 = vector.broadcast %add3A_915 : i32 to vector<16xi32>
        %gather3A_932 = arith.constant 0 : i32
        %gather3A_933 = arith.constant 0 : i32
        %gather3A_934 = tpu.memref_slice %arg14[%rem3A_54, %gather3A_932, %gather3A_933] : memref<2x336x128xf32, #tpu.memory_space<vmem>> -> memref<1x336x128xf32, #tpu.memory_space<vmem>>
        %gather3A_935 = tpu.memref_squeeze %gather3A_934 : memref<1x336x128xf32, #tpu.memory_space<vmem>> -> memref<336x128xf32, #tpu.memory_space<vmem>>
        %gather3A_936 = tpu.vector_load_idx %gather3A_935[%broadcast_in_dim3A_931, %add3A_930] : memref<336x128xf32, #tpu.memory_space<vmem>>[vector<16xi32>, vector<16xi32>], vector<16xf32>,
        %add3A_937 = arith.constant 16 : i32
        %add3A_938 = vector.broadcast %add3A_937 : i32 to vector<16xi32>
        %add3A_939 = arith.addi %add3A_930, %add3A_938 : vector<16xi32>
        %gather3A_940 = arith.constant 0 : i32
        %gather3A_941 = arith.constant 0 : i32
        %gather3A_942 = tpu.memref_slice %arg14[%rem3A_54, %gather3A_940, %gather3A_941] : memref<2x336x128xf32, #tpu.memory_space<vmem>> -> memref<1x336x128xf32, #tpu.memory_space<vmem>>
        %gather3A_943 = tpu.memref_squeeze %gather3A_942 : memref<1x336x128xf32, #tpu.memory_space<vmem>> -> memref<336x128xf32, #tpu.memory_space<vmem>>
        %gather3A_944 = tpu.vector_load_idx %gather3A_943[%broadcast_in_dim3A_931, %add3A_939] : memref<336x128xf32, #tpu.memory_space<vmem>>[vector<16xi32>, vector<16xi32>], vector<16xf32>,
        %add3A_945 = arith.constant 32 : i32
        %add3A_946 = vector.broadcast %add3A_945 : i32 to vector<16xi32>
        %add3A_947 = arith.addi %add3A_930, %add3A_946 : vector<16xi32>
        %gather3A_948 = arith.constant 0 : i32
        %gather3A_949 = arith.constant 0 : i32
        %gather3A_950 = tpu.memref_slice %arg14[%rem3A_54, %gather3A_948, %gather3A_949] : memref<2x336x128xf32, #tpu.memory_space<vmem>> -> memref<1x336x128xf32, #tpu.memory_space<vmem>>
        %gather3A_951 = tpu.memref_squeeze %gather3A_950 : memref<1x336x128xf32, #tpu.memory_space<vmem>> -> memref<336x128xf32, #tpu.memory_space<vmem>>
        %gather3A_952 = tpu.vector_load_idx %gather3A_951[%broadcast_in_dim3A_931, %add3A_947] : memref<336x128xf32, #tpu.memory_space<vmem>>[vector<16xi32>, vector<16xi32>], vector<16xf32>,
        %add3A_953 = arith.constant 48 : i32
        %add3A_954 = vector.broadcast %add3A_953 : i32 to vector<16xi32>
        %add3A_955 = arith.addi %add3A_930, %add3A_954 : vector<16xi32>
        %gather3A_956 = arith.constant 0 : i32
        %gather3A_957 = arith.constant 0 : i32
        %gather3A_958 = tpu.memref_slice %arg14[%rem3A_54, %gather3A_956, %gather3A_957] : memref<2x336x128xf32, #tpu.memory_space<vmem>> -> memref<1x336x128xf32, #tpu.memory_space<vmem>>
        %gather3A_959 = tpu.memref_squeeze %gather3A_958 : memref<1x336x128xf32, #tpu.memory_space<vmem>> -> memref<336x128xf32, #tpu.memory_space<vmem>>
        %gather3A_960 = tpu.vector_load_idx %gather3A_959[%broadcast_in_dim3A_931, %add3A_955] : memref<336x128xf32, #tpu.memory_space<vmem>>[vector<16xi32>, vector<16xi32>], vector<16xf32>,
        %mul3A_961 = arith.mulf %gather3A_131, %gather3A_877 : vector<16xf32>
        %mul3A_962 = arith.mulf %gather3A_139, %gather3A_885 : vector<16xf32>
        %add3A_963 = arith.addf %mul3A_961, %mul3A_962 : vector<16xf32>
        %mul3A_964 = arith.mulf %gather3A_147, %gather3A_893 : vector<16xf32>
        %add3A_965 = arith.addf %add3A_963, %mul3A_964 : vector<16xf32>
        %mul3A_966 = arith.mulf %gather3A_155, %gather3A_901 : vector<16xf32>
        %add3A_967 = arith.addf %add3A_965, %mul3A_966 : vector<16xf32>
        %broadcast_in_dim3A_968 = arith.constant true
        %broadcast_in_dim3A_969 = vector.broadcast %broadcast_in_dim3A_968 : i1 to vector<16xi1>
        %masked_cumsum3A_970 = tpu.scan <sum>, %add3A_967 masked %broadcast_in_dim3A_969 : vector<16xf32>, vector<16xi1> -> vector<16xf32>
        tpu.vector_store_idx %arg15[%broadcast_in_dim3A_872], %masked_cumsum3A_970 masked %eq3A_8 : memref<336xf32, #tpu.memory_space<vmem>>[vector<16xi32>], vector<16xf32>, vector<16xi1>
        %mul3A_971 = arith.constant 21 : i32
        %mul3A_972 = arith.muli %scan3A_114, %mul3A_971 : i32
        %add3A_973 = arith.constant 14 : i32
        %add3A_974 = arith.addi %mul3A_972, %add3A_973 : i32
        %mul3A_975 = arith.constant 336 : i32
        %mul3A_976 = arith.muli %scan3A_53, %mul3A_975 : i32
        %add3A_977 = arith.addi %mul3A_976, %add3A_974 : i32
        %broadcast_in_dim3A_978 = vector.broadcast %add3A_977 : i32 to vector<16xi32>
        %gather3A_979 = tpu.vector_load_idx %arg11[%broadcast_in_dim3A_978] : memref<10752xi32, #tpu.memory_space<vmem>>[vector<16xi32>], vector<16xi32>,
        %shift_right_arithmetic3A_980 = arith.constant 12 : i32
        %shift_right_arithmetic3A_981 = vector.broadcast %shift_right_arithmetic3A_980 : i32 to vector<16xi32>
        %shift_right_arithmetic3A_982 = arith.shrsi %gather3A_979, %shift_right_arithmetic3A_981 : vector<16xi32>
        %and3A_983 = arith.constant 1 : i32
        %and3A_984 = vector.broadcast %and3A_983 : i32 to vector<16xi32>
        %and3A_985 = arith.andi %shift_right_arithmetic3A_982, %and3A_984 : vector<16xi32>
        %mul3A_986 = arith.constant 64 : i32
        %mul3A_987 = vector.broadcast %mul3A_986 : i32 to vector<16xi32>
        %mul3A_988 = arith.muli %and3A_985, %mul3A_987 : vector<16xi32>
        %add3A_989 = arith.addi %mul3A_988, %iota3A : vector<16xi32>
        %broadcast_in_dim3A_990 = vector.broadcast %add3A_974 : i32 to vector<16xi32>
        %gather3A_991 = arith.constant 0 : i32
        %gather3A_992 = arith.constant 0 : i32
        %gather3A_993 = tpu.memref_slice %arg14[%rem3A_54, %gather3A_991, %gather3A_992] : memref<2x336x128xf32, #tpu.memory_space<vmem>> -> memref<1x336x128xf32, #tpu.memory_space<vmem>>
        %gather3A_994 = tpu.memref_squeeze %gather3A_993 : memref<1x336x128xf32, #tpu.memory_space<vmem>> -> memref<336x128xf32, #tpu.memory_space<vmem>>
        %gather3A_995 = tpu.vector_load_idx %gather3A_994[%broadcast_in_dim3A_990, %add3A_989] : memref<336x128xf32, #tpu.memory_space<vmem>>[vector<16xi32>, vector<16xi32>], vector<16xf32>,
        %add3A_996 = arith.constant 16 : i32
        %add3A_997 = vector.broadcast %add3A_996 : i32 to vector<16xi32>
        %add3A_998 = arith.addi %add3A_989, %add3A_997 : vector<16xi32>
        %gather3A_999 = arith.constant 0 : i32
        %gather3A_1000 = arith.constant 0 : i32
        %gather3A_1001 = tpu.memref_slice %arg14[%rem3A_54, %gather3A_999, %gather3A_1000] : memref<2x336x128xf32, #tpu.memory_space<vmem>> -> memref<1x336x128xf32, #tpu.memory_space<vmem>>
        %gather3A_1002 = tpu.memref_squeeze %gather3A_1001 : memref<1x336x128xf32, #tpu.memory_space<vmem>> -> memref<336x128xf32, #tpu.memory_space<vmem>>
        %gather3A_1003 = tpu.vector_load_idx %gather3A_1002[%broadcast_in_dim3A_990, %add3A_998] : memref<336x128xf32, #tpu.memory_space<vmem>>[vector<16xi32>, vector<16xi32>], vector<16xf32>,
        %add3A_1004 = arith.constant 32 : i32
        %add3A_1005 = vector.broadcast %add3A_1004 : i32 to vector<16xi32>
        %add3A_1006 = arith.addi %add3A_989, %add3A_1005 : vector<16xi32>
        %gather3A_1007 = arith.constant 0 : i32
        %gather3A_1008 = arith.constant 0 : i32
        %gather3A_1009 = tpu.memref_slice %arg14[%rem3A_54, %gather3A_1007, %gather3A_1008] : memref<2x336x128xf32, #tpu.memory_space<vmem>> -> memref<1x336x128xf32, #tpu.memory_space<vmem>>
        %gather3A_1010 = tpu.memref_squeeze %gather3A_1009 : memref<1x336x128xf32, #tpu.memory_space<vmem>> -> memref<336x128xf32, #tpu.memory_space<vmem>>
        %gather3A_1011 = tpu.vector_load_idx %gather3A_1010[%broadcast_in_dim3A_990, %add3A_1006] : memref<336x128xf32, #tpu.memory_space<vmem>>[vector<16xi32>, vector<16xi32>], vector<16xf32>,
        %add3A_1012 = arith.constant 48 : i32
        %add3A_1013 = vector.broadcast %add3A_1012 : i32 to vector<16xi32>
        %add3A_1014 = arith.addi %add3A_989, %add3A_1013 : vector<16xi32>
        %gather3A_1015 = arith.constant 0 : i32
        %gather3A_1016 = arith.constant 0 : i32
        %gather3A_1017 = tpu.memref_slice %arg14[%rem3A_54, %gather3A_1015, %gather3A_1016] : memref<2x336x128xf32, #tpu.memory_space<vmem>> -> memref<1x336x128xf32, #tpu.memory_space<vmem>>
        %gather3A_1018 = tpu.memref_squeeze %gather3A_1017 : memref<1x336x128xf32, #tpu.memory_space<vmem>> -> memref<336x128xf32, #tpu.memory_space<vmem>>
        %gather3A_1019 = tpu.vector_load_idx %gather3A_1018[%broadcast_in_dim3A_990, %add3A_1014] : memref<336x128xf32, #tpu.memory_space<vmem>>[vector<16xi32>, vector<16xi32>], vector<16xf32>,
        %mul3A_1020 = arith.mulf %gather3A_131, %gather3A_936 : vector<16xf32>
        %mul3A_1021 = arith.mulf %gather3A_139, %gather3A_944 : vector<16xf32>
        %add3A_1022 = arith.addf %mul3A_1020, %mul3A_1021 : vector<16xf32>
        %mul3A_1023 = arith.mulf %gather3A_147, %gather3A_952 : vector<16xf32>
        %add3A_1024 = arith.addf %add3A_1022, %mul3A_1023 : vector<16xf32>
        %mul3A_1025 = arith.mulf %gather3A_155, %gather3A_960 : vector<16xf32>
        %add3A_1026 = arith.addf %add3A_1024, %mul3A_1025 : vector<16xf32>
        %broadcast_in_dim3A_1027 = arith.constant true
        %broadcast_in_dim3A_1028 = vector.broadcast %broadcast_in_dim3A_1027 : i1 to vector<16xi1>
        %masked_cumsum3A_1029 = tpu.scan <sum>, %add3A_1026 masked %broadcast_in_dim3A_1028 : vector<16xf32>, vector<16xi1> -> vector<16xf32>
        tpu.vector_store_idx %arg15[%broadcast_in_dim3A_931], %masked_cumsum3A_1029 masked %eq3A_8 : memref<336xf32, #tpu.memory_space<vmem>>[vector<16xi32>], vector<16xf32>, vector<16xi1>
        %mul3A_1030 = arith.constant 21 : i32
        %mul3A_1031 = arith.muli %scan3A_114, %mul3A_1030 : i32
        %add3A_1032 = arith.constant 15 : i32
        %add3A_1033 = arith.addi %mul3A_1031, %add3A_1032 : i32
        %mul3A_1034 = arith.constant 336 : i32
        %mul3A_1035 = arith.muli %scan3A_53, %mul3A_1034 : i32
        %add3A_1036 = arith.addi %mul3A_1035, %add3A_1033 : i32
        %broadcast_in_dim3A_1037 = vector.broadcast %add3A_1036 : i32 to vector<16xi32>
        %gather3A_1038 = tpu.vector_load_idx %arg11[%broadcast_in_dim3A_1037] : memref<10752xi32, #tpu.memory_space<vmem>>[vector<16xi32>], vector<16xi32>,
        %shift_right_arithmetic3A_1039 = arith.constant 12 : i32
        %shift_right_arithmetic3A_1040 = vector.broadcast %shift_right_arithmetic3A_1039 : i32 to vector<16xi32>
        %shift_right_arithmetic3A_1041 = arith.shrsi %gather3A_1038, %shift_right_arithmetic3A_1040 : vector<16xi32>
        %and3A_1042 = arith.constant 1 : i32
        %and3A_1043 = vector.broadcast %and3A_1042 : i32 to vector<16xi32>
        %and3A_1044 = arith.andi %shift_right_arithmetic3A_1041, %and3A_1043 : vector<16xi32>
        %mul3A_1045 = arith.constant 64 : i32
        %mul3A_1046 = vector.broadcast %mul3A_1045 : i32 to vector<16xi32>
        %mul3A_1047 = arith.muli %and3A_1044, %mul3A_1046 : vector<16xi32>
        %add3A_1048 = arith.addi %mul3A_1047, %iota3A : vector<16xi32>
        %broadcast_in_dim3A_1049 = vector.broadcast %add3A_1033 : i32 to vector<16xi32>
        %gather3A_1050 = arith.constant 0 : i32
        %gather3A_1051 = arith.constant 0 : i32
        %gather3A_1052 = tpu.memref_slice %arg14[%rem3A_54, %gather3A_1050, %gather3A_1051] : memref<2x336x128xf32, #tpu.memory_space<vmem>> -> memref<1x336x128xf32, #tpu.memory_space<vmem>>
        %gather3A_1053 = tpu.memref_squeeze %gather3A_1052 : memref<1x336x128xf32, #tpu.memory_space<vmem>> -> memref<336x128xf32, #tpu.memory_space<vmem>>
        %gather3A_1054 = tpu.vector_load_idx %gather3A_1053[%broadcast_in_dim3A_1049, %add3A_1048] : memref<336x128xf32, #tpu.memory_space<vmem>>[vector<16xi32>, vector<16xi32>], vector<16xf32>,
        %add3A_1055 = arith.constant 16 : i32
        %add3A_1056 = vector.broadcast %add3A_1055 : i32 to vector<16xi32>
        %add3A_1057 = arith.addi %add3A_1048, %add3A_1056 : vector<16xi32>
        %gather3A_1058 = arith.constant 0 : i32
        %gather3A_1059 = arith.constant 0 : i32
        %gather3A_1060 = tpu.memref_slice %arg14[%rem3A_54, %gather3A_1058, %gather3A_1059] : memref<2x336x128xf32, #tpu.memory_space<vmem>> -> memref<1x336x128xf32, #tpu.memory_space<vmem>>
        %gather3A_1061 = tpu.memref_squeeze %gather3A_1060 : memref<1x336x128xf32, #tpu.memory_space<vmem>> -> memref<336x128xf32, #tpu.memory_space<vmem>>
        %gather3A_1062 = tpu.vector_load_idx %gather3A_1061[%broadcast_in_dim3A_1049, %add3A_1057] : memref<336x128xf32, #tpu.memory_space<vmem>>[vector<16xi32>, vector<16xi32>], vector<16xf32>,
        %add3A_1063 = arith.constant 32 : i32
        %add3A_1064 = vector.broadcast %add3A_1063 : i32 to vector<16xi32>
        %add3A_1065 = arith.addi %add3A_1048, %add3A_1064 : vector<16xi32>
        %gather3A_1066 = arith.constant 0 : i32
        %gather3A_1067 = arith.constant 0 : i32
        %gather3A_1068 = tpu.memref_slice %arg14[%rem3A_54, %gather3A_1066, %gather3A_1067] : memref<2x336x128xf32, #tpu.memory_space<vmem>> -> memref<1x336x128xf32, #tpu.memory_space<vmem>>
        %gather3A_1069 = tpu.memref_squeeze %gather3A_1068 : memref<1x336x128xf32, #tpu.memory_space<vmem>> -> memref<336x128xf32, #tpu.memory_space<vmem>>
        %gather3A_1070 = tpu.vector_load_idx %gather3A_1069[%broadcast_in_dim3A_1049, %add3A_1065] : memref<336x128xf32, #tpu.memory_space<vmem>>[vector<16xi32>, vector<16xi32>], vector<16xf32>,
        %add3A_1071 = arith.constant 48 : i32
        %add3A_1072 = vector.broadcast %add3A_1071 : i32 to vector<16xi32>
        %add3A_1073 = arith.addi %add3A_1048, %add3A_1072 : vector<16xi32>
        %gather3A_1074 = arith.constant 0 : i32
        %gather3A_1075 = arith.constant 0 : i32
        %gather3A_1076 = tpu.memref_slice %arg14[%rem3A_54, %gather3A_1074, %gather3A_1075] : memref<2x336x128xf32, #tpu.memory_space<vmem>> -> memref<1x336x128xf32, #tpu.memory_space<vmem>>
        %gather3A_1077 = tpu.memref_squeeze %gather3A_1076 : memref<1x336x128xf32, #tpu.memory_space<vmem>> -> memref<336x128xf32, #tpu.memory_space<vmem>>
        %gather3A_1078 = tpu.vector_load_idx %gather3A_1077[%broadcast_in_dim3A_1049, %add3A_1073] : memref<336x128xf32, #tpu.memory_space<vmem>>[vector<16xi32>, vector<16xi32>], vector<16xf32>,
        %mul3A_1079 = arith.mulf %gather3A_131, %gather3A_995 : vector<16xf32>
        %mul3A_1080 = arith.mulf %gather3A_139, %gather3A_1003 : vector<16xf32>
        %add3A_1081 = arith.addf %mul3A_1079, %mul3A_1080 : vector<16xf32>
        %mul3A_1082 = arith.mulf %gather3A_147, %gather3A_1011 : vector<16xf32>
        %add3A_1083 = arith.addf %add3A_1081, %mul3A_1082 : vector<16xf32>
        %mul3A_1084 = arith.mulf %gather3A_155, %gather3A_1019 : vector<16xf32>
        %add3A_1085 = arith.addf %add3A_1083, %mul3A_1084 : vector<16xf32>
        %broadcast_in_dim3A_1086 = arith.constant true
        %broadcast_in_dim3A_1087 = vector.broadcast %broadcast_in_dim3A_1086 : i1 to vector<16xi1>
        %masked_cumsum3A_1088 = tpu.scan <sum>, %add3A_1085 masked %broadcast_in_dim3A_1087 : vector<16xf32>, vector<16xi1> -> vector<16xf32>
        tpu.vector_store_idx %arg15[%broadcast_in_dim3A_990], %masked_cumsum3A_1088 masked %eq3A_8 : memref<336xf32, #tpu.memory_space<vmem>>[vector<16xi32>], vector<16xf32>, vector<16xi1>
        %mul3A_1089 = arith.constant 21 : i32
        %mul3A_1090 = arith.muli %scan3A_114, %mul3A_1089 : i32
        %add3A_1091 = arith.constant 16 : i32
        %add3A_1092 = arith.addi %mul3A_1090, %add3A_1091 : i32
        %mul3A_1093 = arith.constant 336 : i32
        %mul3A_1094 = arith.muli %scan3A_53, %mul3A_1093 : i32
        %add3A_1095 = arith.addi %mul3A_1094, %add3A_1092 : i32
        %broadcast_in_dim3A_1096 = vector.broadcast %add3A_1095 : i32 to vector<16xi32>
        %gather3A_1097 = tpu.vector_load_idx %arg11[%broadcast_in_dim3A_1096] : memref<10752xi32, #tpu.memory_space<vmem>>[vector<16xi32>], vector<16xi32>,
        %shift_right_arithmetic3A_1098 = arith.constant 12 : i32
        %shift_right_arithmetic3A_1099 = vector.broadcast %shift_right_arithmetic3A_1098 : i32 to vector<16xi32>
        %shift_right_arithmetic3A_1100 = arith.shrsi %gather3A_1097, %shift_right_arithmetic3A_1099 : vector<16xi32>
        %and3A_1101 = arith.constant 1 : i32
        %and3A_1102 = vector.broadcast %and3A_1101 : i32 to vector<16xi32>
        %and3A_1103 = arith.andi %shift_right_arithmetic3A_1100, %and3A_1102 : vector<16xi32>
        %mul3A_1104 = arith.constant 64 : i32
        %mul3A_1105 = vector.broadcast %mul3A_1104 : i32 to vector<16xi32>
        %mul3A_1106 = arith.muli %and3A_1103, %mul3A_1105 : vector<16xi32>
        %add3A_1107 = arith.addi %mul3A_1106, %iota3A : vector<16xi32>
        %broadcast_in_dim3A_1108 = vector.broadcast %add3A_1092 : i32 to vector<16xi32>
        %gather3A_1109 = arith.constant 0 : i32
        %gather3A_1110 = arith.constant 0 : i32
        %gather3A_1111 = tpu.memref_slice %arg14[%rem3A_54, %gather3A_1109, %gather3A_1110] : memref<2x336x128xf32, #tpu.memory_space<vmem>> -> memref<1x336x128xf32, #tpu.memory_space<vmem>>
        %gather3A_1112 = tpu.memref_squeeze %gather3A_1111 : memref<1x336x128xf32, #tpu.memory_space<vmem>> -> memref<336x128xf32, #tpu.memory_space<vmem>>
        %gather3A_1113 = tpu.vector_load_idx %gather3A_1112[%broadcast_in_dim3A_1108, %add3A_1107] : memref<336x128xf32, #tpu.memory_space<vmem>>[vector<16xi32>, vector<16xi32>], vector<16xf32>,
        %add3A_1114 = arith.constant 16 : i32
        %add3A_1115 = vector.broadcast %add3A_1114 : i32 to vector<16xi32>
        %add3A_1116 = arith.addi %add3A_1107, %add3A_1115 : vector<16xi32>
        %gather3A_1117 = arith.constant 0 : i32
        %gather3A_1118 = arith.constant 0 : i32
        %gather3A_1119 = tpu.memref_slice %arg14[%rem3A_54, %gather3A_1117, %gather3A_1118] : memref<2x336x128xf32, #tpu.memory_space<vmem>> -> memref<1x336x128xf32, #tpu.memory_space<vmem>>
        %gather3A_1120 = tpu.memref_squeeze %gather3A_1119 : memref<1x336x128xf32, #tpu.memory_space<vmem>> -> memref<336x128xf32, #tpu.memory_space<vmem>>
        %gather3A_1121 = tpu.vector_load_idx %gather3A_1120[%broadcast_in_dim3A_1108, %add3A_1116] : memref<336x128xf32, #tpu.memory_space<vmem>>[vector<16xi32>, vector<16xi32>], vector<16xf32>,
        %add3A_1122 = arith.constant 32 : i32
        %add3A_1123 = vector.broadcast %add3A_1122 : i32 to vector<16xi32>
        %add3A_1124 = arith.addi %add3A_1107, %add3A_1123 : vector<16xi32>
        %gather3A_1125 = arith.constant 0 : i32
        %gather3A_1126 = arith.constant 0 : i32
        %gather3A_1127 = tpu.memref_slice %arg14[%rem3A_54, %gather3A_1125, %gather3A_1126] : memref<2x336x128xf32, #tpu.memory_space<vmem>> -> memref<1x336x128xf32, #tpu.memory_space<vmem>>
        %gather3A_1128 = tpu.memref_squeeze %gather3A_1127 : memref<1x336x128xf32, #tpu.memory_space<vmem>> -> memref<336x128xf32, #tpu.memory_space<vmem>>
        %gather3A_1129 = tpu.vector_load_idx %gather3A_1128[%broadcast_in_dim3A_1108, %add3A_1124] : memref<336x128xf32, #tpu.memory_space<vmem>>[vector<16xi32>, vector<16xi32>], vector<16xf32>,
        %add3A_1130 = arith.constant 48 : i32
        %add3A_1131 = vector.broadcast %add3A_1130 : i32 to vector<16xi32>
        %add3A_1132 = arith.addi %add3A_1107, %add3A_1131 : vector<16xi32>
        %gather3A_1133 = arith.constant 0 : i32
        %gather3A_1134 = arith.constant 0 : i32
        %gather3A_1135 = tpu.memref_slice %arg14[%rem3A_54, %gather3A_1133, %gather3A_1134] : memref<2x336x128xf32, #tpu.memory_space<vmem>> -> memref<1x336x128xf32, #tpu.memory_space<vmem>>
        %gather3A_1136 = tpu.memref_squeeze %gather3A_1135 : memref<1x336x128xf32, #tpu.memory_space<vmem>> -> memref<336x128xf32, #tpu.memory_space<vmem>>
        %gather3A_1137 = tpu.vector_load_idx %gather3A_1136[%broadcast_in_dim3A_1108, %add3A_1132] : memref<336x128xf32, #tpu.memory_space<vmem>>[vector<16xi32>, vector<16xi32>], vector<16xf32>,
        %mul3A_1138 = arith.mulf %gather3A_131, %gather3A_1054 : vector<16xf32>
        %mul3A_1139 = arith.mulf %gather3A_139, %gather3A_1062 : vector<16xf32>
        %add3A_1140 = arith.addf %mul3A_1138, %mul3A_1139 : vector<16xf32>
        %mul3A_1141 = arith.mulf %gather3A_147, %gather3A_1070 : vector<16xf32>
        %add3A_1142 = arith.addf %add3A_1140, %mul3A_1141 : vector<16xf32>
        %mul3A_1143 = arith.mulf %gather3A_155, %gather3A_1078 : vector<16xf32>
        %add3A_1144 = arith.addf %add3A_1142, %mul3A_1143 : vector<16xf32>
        %broadcast_in_dim3A_1145 = arith.constant true
        %broadcast_in_dim3A_1146 = vector.broadcast %broadcast_in_dim3A_1145 : i1 to vector<16xi1>
        %masked_cumsum3A_1147 = tpu.scan <sum>, %add3A_1144 masked %broadcast_in_dim3A_1146 : vector<16xf32>, vector<16xi1> -> vector<16xf32>
        tpu.vector_store_idx %arg15[%broadcast_in_dim3A_1049], %masked_cumsum3A_1147 masked %eq3A_8 : memref<336xf32, #tpu.memory_space<vmem>>[vector<16xi32>], vector<16xf32>, vector<16xi1>
        %mul3A_1148 = arith.constant 21 : i32
        %mul3A_1149 = arith.muli %scan3A_114, %mul3A_1148 : i32
        %add3A_1150 = arith.constant 17 : i32
        %add3A_1151 = arith.addi %mul3A_1149, %add3A_1150 : i32
        %mul3A_1152 = arith.constant 336 : i32
        %mul3A_1153 = arith.muli %scan3A_53, %mul3A_1152 : i32
        %add3A_1154 = arith.addi %mul3A_1153, %add3A_1151 : i32
        %broadcast_in_dim3A_1155 = vector.broadcast %add3A_1154 : i32 to vector<16xi32>
        %gather3A_1156 = tpu.vector_load_idx %arg11[%broadcast_in_dim3A_1155] : memref<10752xi32, #tpu.memory_space<vmem>>[vector<16xi32>], vector<16xi32>,
        %shift_right_arithmetic3A_1157 = arith.constant 12 : i32
        %shift_right_arithmetic3A_1158 = vector.broadcast %shift_right_arithmetic3A_1157 : i32 to vector<16xi32>
        %shift_right_arithmetic3A_1159 = arith.shrsi %gather3A_1156, %shift_right_arithmetic3A_1158 : vector<16xi32>
        %and3A_1160 = arith.constant 1 : i32
        %and3A_1161 = vector.broadcast %and3A_1160 : i32 to vector<16xi32>
        %and3A_1162 = arith.andi %shift_right_arithmetic3A_1159, %and3A_1161 : vector<16xi32>
        %mul3A_1163 = arith.constant 64 : i32
        %mul3A_1164 = vector.broadcast %mul3A_1163 : i32 to vector<16xi32>
        %mul3A_1165 = arith.muli %and3A_1162, %mul3A_1164 : vector<16xi32>
        %add3A_1166 = arith.addi %mul3A_1165, %iota3A : vector<16xi32>
        %broadcast_in_dim3A_1167 = vector.broadcast %add3A_1151 : i32 to vector<16xi32>
        %gather3A_1168 = arith.constant 0 : i32
        %gather3A_1169 = arith.constant 0 : i32
        %gather3A_1170 = tpu.memref_slice %arg14[%rem3A_54, %gather3A_1168, %gather3A_1169] : memref<2x336x128xf32, #tpu.memory_space<vmem>> -> memref<1x336x128xf32, #tpu.memory_space<vmem>>
        %gather3A_1171 = tpu.memref_squeeze %gather3A_1170 : memref<1x336x128xf32, #tpu.memory_space<vmem>> -> memref<336x128xf32, #tpu.memory_space<vmem>>
        %gather3A_1172 = tpu.vector_load_idx %gather3A_1171[%broadcast_in_dim3A_1167, %add3A_1166] : memref<336x128xf32, #tpu.memory_space<vmem>>[vector<16xi32>, vector<16xi32>], vector<16xf32>,
        %add3A_1173 = arith.constant 16 : i32
        %add3A_1174 = vector.broadcast %add3A_1173 : i32 to vector<16xi32>
        %add3A_1175 = arith.addi %add3A_1166, %add3A_1174 : vector<16xi32>
        %gather3A_1176 = arith.constant 0 : i32
        %gather3A_1177 = arith.constant 0 : i32
        %gather3A_1178 = tpu.memref_slice %arg14[%rem3A_54, %gather3A_1176, %gather3A_1177] : memref<2x336x128xf32, #tpu.memory_space<vmem>> -> memref<1x336x128xf32, #tpu.memory_space<vmem>>
        %gather3A_1179 = tpu.memref_squeeze %gather3A_1178 : memref<1x336x128xf32, #tpu.memory_space<vmem>> -> memref<336x128xf32, #tpu.memory_space<vmem>>
        %gather3A_1180 = tpu.vector_load_idx %gather3A_1179[%broadcast_in_dim3A_1167, %add3A_1175] : memref<336x128xf32, #tpu.memory_space<vmem>>[vector<16xi32>, vector<16xi32>], vector<16xf32>,
        %add3A_1181 = arith.constant 32 : i32
        %add3A_1182 = vector.broadcast %add3A_1181 : i32 to vector<16xi32>
        %add3A_1183 = arith.addi %add3A_1166, %add3A_1182 : vector<16xi32>
        %gather3A_1184 = arith.constant 0 : i32
        %gather3A_1185 = arith.constant 0 : i32
        %gather3A_1186 = tpu.memref_slice %arg14[%rem3A_54, %gather3A_1184, %gather3A_1185] : memref<2x336x128xf32, #tpu.memory_space<vmem>> -> memref<1x336x128xf32, #tpu.memory_space<vmem>>
        %gather3A_1187 = tpu.memref_squeeze %gather3A_1186 : memref<1x336x128xf32, #tpu.memory_space<vmem>> -> memref<336x128xf32, #tpu.memory_space<vmem>>
        %gather3A_1188 = tpu.vector_load_idx %gather3A_1187[%broadcast_in_dim3A_1167, %add3A_1183] : memref<336x128xf32, #tpu.memory_space<vmem>>[vector<16xi32>, vector<16xi32>], vector<16xf32>,
        %add3A_1189 = arith.constant 48 : i32
        %add3A_1190 = vector.broadcast %add3A_1189 : i32 to vector<16xi32>
        %add3A_1191 = arith.addi %add3A_1166, %add3A_1190 : vector<16xi32>
        %gather3A_1192 = arith.constant 0 : i32
        %gather3A_1193 = arith.constant 0 : i32
        %gather3A_1194 = tpu.memref_slice %arg14[%rem3A_54, %gather3A_1192, %gather3A_1193] : memref<2x336x128xf32, #tpu.memory_space<vmem>> -> memref<1x336x128xf32, #tpu.memory_space<vmem>>
        %gather3A_1195 = tpu.memref_squeeze %gather3A_1194 : memref<1x336x128xf32, #tpu.memory_space<vmem>> -> memref<336x128xf32, #tpu.memory_space<vmem>>
        %gather3A_1196 = tpu.vector_load_idx %gather3A_1195[%broadcast_in_dim3A_1167, %add3A_1191] : memref<336x128xf32, #tpu.memory_space<vmem>>[vector<16xi32>, vector<16xi32>], vector<16xf32>,
        %mul3A_1197 = arith.mulf %gather3A_131, %gather3A_1113 : vector<16xf32>
        %mul3A_1198 = arith.mulf %gather3A_139, %gather3A_1121 : vector<16xf32>
        %add3A_1199 = arith.addf %mul3A_1197, %mul3A_1198 : vector<16xf32>
        %mul3A_1200 = arith.mulf %gather3A_147, %gather3A_1129 : vector<16xf32>
        %add3A_1201 = arith.addf %add3A_1199, %mul3A_1200 : vector<16xf32>
        %mul3A_1202 = arith.mulf %gather3A_155, %gather3A_1137 : vector<16xf32>
        %add3A_1203 = arith.addf %add3A_1201, %mul3A_1202 : vector<16xf32>
        %broadcast_in_dim3A_1204 = arith.constant true
        %broadcast_in_dim3A_1205 = vector.broadcast %broadcast_in_dim3A_1204 : i1 to vector<16xi1>
        %masked_cumsum3A_1206 = tpu.scan <sum>, %add3A_1203 masked %broadcast_in_dim3A_1205 : vector<16xf32>, vector<16xi1> -> vector<16xf32>
        tpu.vector_store_idx %arg15[%broadcast_in_dim3A_1108], %masked_cumsum3A_1206 masked %eq3A_8 : memref<336xf32, #tpu.memory_space<vmem>>[vector<16xi32>], vector<16xf32>, vector<16xi1>
        %mul3A_1207 = arith.constant 21 : i32
        %mul3A_1208 = arith.muli %scan3A_114, %mul3A_1207 : i32
        %add3A_1209 = arith.constant 18 : i32
        %add3A_1210 = arith.addi %mul3A_1208, %add3A_1209 : i32
        %mul3A_1211 = arith.constant 336 : i32
        %mul3A_1212 = arith.muli %scan3A_53, %mul3A_1211 : i32
        %add3A_1213 = arith.addi %mul3A_1212, %add3A_1210 : i32
        %broadcast_in_dim3A_1214 = vector.broadcast %add3A_1213 : i32 to vector<16xi32>
        %gather3A_1215 = tpu.vector_load_idx %arg11[%broadcast_in_dim3A_1214] : memref<10752xi32, #tpu.memory_space<vmem>>[vector<16xi32>], vector<16xi32>,
        %shift_right_arithmetic3A_1216 = arith.constant 12 : i32
        %shift_right_arithmetic3A_1217 = vector.broadcast %shift_right_arithmetic3A_1216 : i32 to vector<16xi32>
        %shift_right_arithmetic3A_1218 = arith.shrsi %gather3A_1215, %shift_right_arithmetic3A_1217 : vector<16xi32>
        %and3A_1219 = arith.constant 1 : i32
        %and3A_1220 = vector.broadcast %and3A_1219 : i32 to vector<16xi32>
        %and3A_1221 = arith.andi %shift_right_arithmetic3A_1218, %and3A_1220 : vector<16xi32>
        %mul3A_1222 = arith.constant 64 : i32
        %mul3A_1223 = vector.broadcast %mul3A_1222 : i32 to vector<16xi32>
        %mul3A_1224 = arith.muli %and3A_1221, %mul3A_1223 : vector<16xi32>
        %add3A_1225 = arith.addi %mul3A_1224, %iota3A : vector<16xi32>
        %broadcast_in_dim3A_1226 = vector.broadcast %add3A_1210 : i32 to vector<16xi32>
        %gather3A_1227 = arith.constant 0 : i32
        %gather3A_1228 = arith.constant 0 : i32
        %gather3A_1229 = tpu.memref_slice %arg14[%rem3A_54, %gather3A_1227, %gather3A_1228] : memref<2x336x128xf32, #tpu.memory_space<vmem>> -> memref<1x336x128xf32, #tpu.memory_space<vmem>>
        %gather3A_1230 = tpu.memref_squeeze %gather3A_1229 : memref<1x336x128xf32, #tpu.memory_space<vmem>> -> memref<336x128xf32, #tpu.memory_space<vmem>>
        %gather3A_1231 = tpu.vector_load_idx %gather3A_1230[%broadcast_in_dim3A_1226, %add3A_1225] : memref<336x128xf32, #tpu.memory_space<vmem>>[vector<16xi32>, vector<16xi32>], vector<16xf32>,
        %add3A_1232 = arith.constant 16 : i32
        %add3A_1233 = vector.broadcast %add3A_1232 : i32 to vector<16xi32>
        %add3A_1234 = arith.addi %add3A_1225, %add3A_1233 : vector<16xi32>
        %gather3A_1235 = arith.constant 0 : i32
        %gather3A_1236 = arith.constant 0 : i32
        %gather3A_1237 = tpu.memref_slice %arg14[%rem3A_54, %gather3A_1235, %gather3A_1236] : memref<2x336x128xf32, #tpu.memory_space<vmem>> -> memref<1x336x128xf32, #tpu.memory_space<vmem>>
        %gather3A_1238 = tpu.memref_squeeze %gather3A_1237 : memref<1x336x128xf32, #tpu.memory_space<vmem>> -> memref<336x128xf32, #tpu.memory_space<vmem>>
        %gather3A_1239 = tpu.vector_load_idx %gather3A_1238[%broadcast_in_dim3A_1226, %add3A_1234] : memref<336x128xf32, #tpu.memory_space<vmem>>[vector<16xi32>, vector<16xi32>], vector<16xf32>,
        %add3A_1240 = arith.constant 32 : i32
        %add3A_1241 = vector.broadcast %add3A_1240 : i32 to vector<16xi32>
        %add3A_1242 = arith.addi %add3A_1225, %add3A_1241 : vector<16xi32>
        %gather3A_1243 = arith.constant 0 : i32
        %gather3A_1244 = arith.constant 0 : i32
        %gather3A_1245 = tpu.memref_slice %arg14[%rem3A_54, %gather3A_1243, %gather3A_1244] : memref<2x336x128xf32, #tpu.memory_space<vmem>> -> memref<1x336x128xf32, #tpu.memory_space<vmem>>
        %gather3A_1246 = tpu.memref_squeeze %gather3A_1245 : memref<1x336x128xf32, #tpu.memory_space<vmem>> -> memref<336x128xf32, #tpu.memory_space<vmem>>
        %gather3A_1247 = tpu.vector_load_idx %gather3A_1246[%broadcast_in_dim3A_1226, %add3A_1242] : memref<336x128xf32, #tpu.memory_space<vmem>>[vector<16xi32>, vector<16xi32>], vector<16xf32>,
        %add3A_1248 = arith.constant 48 : i32
        %add3A_1249 = vector.broadcast %add3A_1248 : i32 to vector<16xi32>
        %add3A_1250 = arith.addi %add3A_1225, %add3A_1249 : vector<16xi32>
        %gather3A_1251 = arith.constant 0 : i32
        %gather3A_1252 = arith.constant 0 : i32
        %gather3A_1253 = tpu.memref_slice %arg14[%rem3A_54, %gather3A_1251, %gather3A_1252] : memref<2x336x128xf32, #tpu.memory_space<vmem>> -> memref<1x336x128xf32, #tpu.memory_space<vmem>>
        %gather3A_1254 = tpu.memref_squeeze %gather3A_1253 : memref<1x336x128xf32, #tpu.memory_space<vmem>> -> memref<336x128xf32, #tpu.memory_space<vmem>>
        %gather3A_1255 = tpu.vector_load_idx %gather3A_1254[%broadcast_in_dim3A_1226, %add3A_1250] : memref<336x128xf32, #tpu.memory_space<vmem>>[vector<16xi32>, vector<16xi32>], vector<16xf32>,
        %mul3A_1256 = arith.mulf %gather3A_131, %gather3A_1172 : vector<16xf32>
        %mul3A_1257 = arith.mulf %gather3A_139, %gather3A_1180 : vector<16xf32>
        %add3A_1258 = arith.addf %mul3A_1256, %mul3A_1257 : vector<16xf32>
        %mul3A_1259 = arith.mulf %gather3A_147, %gather3A_1188 : vector<16xf32>
        %add3A_1260 = arith.addf %add3A_1258, %mul3A_1259 : vector<16xf32>
        %mul3A_1261 = arith.mulf %gather3A_155, %gather3A_1196 : vector<16xf32>
        %add3A_1262 = arith.addf %add3A_1260, %mul3A_1261 : vector<16xf32>
        %broadcast_in_dim3A_1263 = arith.constant true
        %broadcast_in_dim3A_1264 = vector.broadcast %broadcast_in_dim3A_1263 : i1 to vector<16xi1>
        %masked_cumsum3A_1265 = tpu.scan <sum>, %add3A_1262 masked %broadcast_in_dim3A_1264 : vector<16xf32>, vector<16xi1> -> vector<16xf32>
        tpu.vector_store_idx %arg15[%broadcast_in_dim3A_1167], %masked_cumsum3A_1265 masked %eq3A_8 : memref<336xf32, #tpu.memory_space<vmem>>[vector<16xi32>], vector<16xf32>, vector<16xi1>
        %mul3A_1266 = arith.constant 21 : i32
        %mul3A_1267 = arith.muli %scan3A_114, %mul3A_1266 : i32
        %add3A_1268 = arith.constant 19 : i32
        %add3A_1269 = arith.addi %mul3A_1267, %add3A_1268 : i32
        %mul3A_1270 = arith.constant 336 : i32
        %mul3A_1271 = arith.muli %scan3A_53, %mul3A_1270 : i32
        %add3A_1272 = arith.addi %mul3A_1271, %add3A_1269 : i32
        %broadcast_in_dim3A_1273 = vector.broadcast %add3A_1272 : i32 to vector<16xi32>
        %gather3A_1274 = tpu.vector_load_idx %arg11[%broadcast_in_dim3A_1273] : memref<10752xi32, #tpu.memory_space<vmem>>[vector<16xi32>], vector<16xi32>,
        %shift_right_arithmetic3A_1275 = arith.constant 12 : i32
        %shift_right_arithmetic3A_1276 = vector.broadcast %shift_right_arithmetic3A_1275 : i32 to vector<16xi32>
        %shift_right_arithmetic3A_1277 = arith.shrsi %gather3A_1274, %shift_right_arithmetic3A_1276 : vector<16xi32>
        %and3A_1278 = arith.constant 1 : i32
        %and3A_1279 = vector.broadcast %and3A_1278 : i32 to vector<16xi32>
        %and3A_1280 = arith.andi %shift_right_arithmetic3A_1277, %and3A_1279 : vector<16xi32>
        %mul3A_1281 = arith.constant 64 : i32
        %mul3A_1282 = vector.broadcast %mul3A_1281 : i32 to vector<16xi32>
        %mul3A_1283 = arith.muli %and3A_1280, %mul3A_1282 : vector<16xi32>
        %add3A_1284 = arith.addi %mul3A_1283, %iota3A : vector<16xi32>
        %broadcast_in_dim3A_1285 = vector.broadcast %add3A_1269 : i32 to vector<16xi32>
        %gather3A_1286 = arith.constant 0 : i32
        %gather3A_1287 = arith.constant 0 : i32
        %gather3A_1288 = tpu.memref_slice %arg14[%rem3A_54, %gather3A_1286, %gather3A_1287] : memref<2x336x128xf32, #tpu.memory_space<vmem>> -> memref<1x336x128xf32, #tpu.memory_space<vmem>>
        %gather3A_1289 = tpu.memref_squeeze %gather3A_1288 : memref<1x336x128xf32, #tpu.memory_space<vmem>> -> memref<336x128xf32, #tpu.memory_space<vmem>>
        %gather3A_1290 = tpu.vector_load_idx %gather3A_1289[%broadcast_in_dim3A_1285, %add3A_1284] : memref<336x128xf32, #tpu.memory_space<vmem>>[vector<16xi32>, vector<16xi32>], vector<16xf32>,
        %add3A_1291 = arith.constant 16 : i32
        %add3A_1292 = vector.broadcast %add3A_1291 : i32 to vector<16xi32>
        %add3A_1293 = arith.addi %add3A_1284, %add3A_1292 : vector<16xi32>
        %gather3A_1294 = arith.constant 0 : i32
        %gather3A_1295 = arith.constant 0 : i32
        %gather3A_1296 = tpu.memref_slice %arg14[%rem3A_54, %gather3A_1294, %gather3A_1295] : memref<2x336x128xf32, #tpu.memory_space<vmem>> -> memref<1x336x128xf32, #tpu.memory_space<vmem>>
        %gather3A_1297 = tpu.memref_squeeze %gather3A_1296 : memref<1x336x128xf32, #tpu.memory_space<vmem>> -> memref<336x128xf32, #tpu.memory_space<vmem>>
        %gather3A_1298 = tpu.vector_load_idx %gather3A_1297[%broadcast_in_dim3A_1285, %add3A_1293] : memref<336x128xf32, #tpu.memory_space<vmem>>[vector<16xi32>, vector<16xi32>], vector<16xf32>,
        %add3A_1299 = arith.constant 32 : i32
        %add3A_1300 = vector.broadcast %add3A_1299 : i32 to vector<16xi32>
        %add3A_1301 = arith.addi %add3A_1284, %add3A_1300 : vector<16xi32>
        %gather3A_1302 = arith.constant 0 : i32
        %gather3A_1303 = arith.constant 0 : i32
        %gather3A_1304 = tpu.memref_slice %arg14[%rem3A_54, %gather3A_1302, %gather3A_1303] : memref<2x336x128xf32, #tpu.memory_space<vmem>> -> memref<1x336x128xf32, #tpu.memory_space<vmem>>
        %gather3A_1305 = tpu.memref_squeeze %gather3A_1304 : memref<1x336x128xf32, #tpu.memory_space<vmem>> -> memref<336x128xf32, #tpu.memory_space<vmem>>
        %gather3A_1306 = tpu.vector_load_idx %gather3A_1305[%broadcast_in_dim3A_1285, %add3A_1301] : memref<336x128xf32, #tpu.memory_space<vmem>>[vector<16xi32>, vector<16xi32>], vector<16xf32>,
        %add3A_1307 = arith.constant 48 : i32
        %add3A_1308 = vector.broadcast %add3A_1307 : i32 to vector<16xi32>
        %add3A_1309 = arith.addi %add3A_1284, %add3A_1308 : vector<16xi32>
        %gather3A_1310 = arith.constant 0 : i32
        %gather3A_1311 = arith.constant 0 : i32
        %gather3A_1312 = tpu.memref_slice %arg14[%rem3A_54, %gather3A_1310, %gather3A_1311] : memref<2x336x128xf32, #tpu.memory_space<vmem>> -> memref<1x336x128xf32, #tpu.memory_space<vmem>>
        %gather3A_1313 = tpu.memref_squeeze %gather3A_1312 : memref<1x336x128xf32, #tpu.memory_space<vmem>> -> memref<336x128xf32, #tpu.memory_space<vmem>>
        %gather3A_1314 = tpu.vector_load_idx %gather3A_1313[%broadcast_in_dim3A_1285, %add3A_1309] : memref<336x128xf32, #tpu.memory_space<vmem>>[vector<16xi32>, vector<16xi32>], vector<16xf32>,
        %mul3A_1315 = arith.mulf %gather3A_131, %gather3A_1231 : vector<16xf32>
        %mul3A_1316 = arith.mulf %gather3A_139, %gather3A_1239 : vector<16xf32>
        %add3A_1317 = arith.addf %mul3A_1315, %mul3A_1316 : vector<16xf32>
        %mul3A_1318 = arith.mulf %gather3A_147, %gather3A_1247 : vector<16xf32>
        %add3A_1319 = arith.addf %add3A_1317, %mul3A_1318 : vector<16xf32>
        %mul3A_1320 = arith.mulf %gather3A_155, %gather3A_1255 : vector<16xf32>
        %add3A_1321 = arith.addf %add3A_1319, %mul3A_1320 : vector<16xf32>
        %broadcast_in_dim3A_1322 = arith.constant true
        %broadcast_in_dim3A_1323 = vector.broadcast %broadcast_in_dim3A_1322 : i1 to vector<16xi1>
        %masked_cumsum3A_1324 = tpu.scan <sum>, %add3A_1321 masked %broadcast_in_dim3A_1323 : vector<16xf32>, vector<16xi1> -> vector<16xf32>
        tpu.vector_store_idx %arg15[%broadcast_in_dim3A_1226], %masked_cumsum3A_1324 masked %eq3A_8 : memref<336xf32, #tpu.memory_space<vmem>>[vector<16xi32>], vector<16xf32>, vector<16xi1>
        %mul3A_1325 = arith.constant 21 : i32
        %mul3A_1326 = arith.muli %scan3A_114, %mul3A_1325 : i32
        %add3A_1327 = arith.constant 20 : i32
        %add3A_1328 = arith.addi %mul3A_1326, %add3A_1327 : i32
        %mul3A_1329 = arith.constant 336 : i32
        %mul3A_1330 = arith.muli %scan3A_53, %mul3A_1329 : i32
        %add3A_1331 = arith.addi %mul3A_1330, %add3A_1328 : i32
        %broadcast_in_dim3A_1332 = vector.broadcast %add3A_1331 : i32 to vector<16xi32>
        %gather3A_1333 = tpu.vector_load_idx %arg11[%broadcast_in_dim3A_1332] : memref<10752xi32, #tpu.memory_space<vmem>>[vector<16xi32>], vector<16xi32>,
        %shift_right_arithmetic3A_1334 = arith.constant 12 : i32
        %shift_right_arithmetic3A_1335 = vector.broadcast %shift_right_arithmetic3A_1334 : i32 to vector<16xi32>
        %shift_right_arithmetic3A_1336 = arith.shrsi %gather3A_1333, %shift_right_arithmetic3A_1335 : vector<16xi32>
        %and3A_1337 = arith.constant 1 : i32
        %and3A_1338 = vector.broadcast %and3A_1337 : i32 to vector<16xi32>
        %and3A_1339 = arith.andi %shift_right_arithmetic3A_1336, %and3A_1338 : vector<16xi32>
        %mul3A_1340 = arith.constant 64 : i32
        %mul3A_1341 = vector.broadcast %mul3A_1340 : i32 to vector<16xi32>
        %mul3A_1342 = arith.muli %and3A_1339, %mul3A_1341 : vector<16xi32>
        %add3A_1343 = arith.addi %mul3A_1342, %iota3A : vector<16xi32>
        %broadcast_in_dim3A_1344 = vector.broadcast %add3A_1328 : i32 to vector<16xi32>
        %gather3A_1345 = arith.constant 0 : i32
        %gather3A_1346 = arith.constant 0 : i32
        %gather3A_1347 = tpu.memref_slice %arg14[%rem3A_54, %gather3A_1345, %gather3A_1346] : memref<2x336x128xf32, #tpu.memory_space<vmem>> -> memref<1x336x128xf32, #tpu.memory_space<vmem>>
        %gather3A_1348 = tpu.memref_squeeze %gather3A_1347 : memref<1x336x128xf32, #tpu.memory_space<vmem>> -> memref<336x128xf32, #tpu.memory_space<vmem>>
        %gather3A_1349 = tpu.vector_load_idx %gather3A_1348[%broadcast_in_dim3A_1344, %add3A_1343] : memref<336x128xf32, #tpu.memory_space<vmem>>[vector<16xi32>, vector<16xi32>], vector<16xf32>,
        %add3A_1350 = arith.constant 16 : i32
        %add3A_1351 = vector.broadcast %add3A_1350 : i32 to vector<16xi32>
        %add3A_1352 = arith.addi %add3A_1343, %add3A_1351 : vector<16xi32>
        %gather3A_1353 = arith.constant 0 : i32
        %gather3A_1354 = arith.constant 0 : i32
        %gather3A_1355 = tpu.memref_slice %arg14[%rem3A_54, %gather3A_1353, %gather3A_1354] : memref<2x336x128xf32, #tpu.memory_space<vmem>> -> memref<1x336x128xf32, #tpu.memory_space<vmem>>
        %gather3A_1356 = tpu.memref_squeeze %gather3A_1355 : memref<1x336x128xf32, #tpu.memory_space<vmem>> -> memref<336x128xf32, #tpu.memory_space<vmem>>
        %gather3A_1357 = tpu.vector_load_idx %gather3A_1356[%broadcast_in_dim3A_1344, %add3A_1352] : memref<336x128xf32, #tpu.memory_space<vmem>>[vector<16xi32>, vector<16xi32>], vector<16xf32>,
        %add3A_1358 = arith.constant 32 : i32
        %add3A_1359 = vector.broadcast %add3A_1358 : i32 to vector<16xi32>
        %add3A_1360 = arith.addi %add3A_1343, %add3A_1359 : vector<16xi32>
        %gather3A_1361 = arith.constant 0 : i32
        %gather3A_1362 = arith.constant 0 : i32
        %gather3A_1363 = tpu.memref_slice %arg14[%rem3A_54, %gather3A_1361, %gather3A_1362] : memref<2x336x128xf32, #tpu.memory_space<vmem>> -> memref<1x336x128xf32, #tpu.memory_space<vmem>>
        %gather3A_1364 = tpu.memref_squeeze %gather3A_1363 : memref<1x336x128xf32, #tpu.memory_space<vmem>> -> memref<336x128xf32, #tpu.memory_space<vmem>>
        %gather3A_1365 = tpu.vector_load_idx %gather3A_1364[%broadcast_in_dim3A_1344, %add3A_1360] : memref<336x128xf32, #tpu.memory_space<vmem>>[vector<16xi32>, vector<16xi32>], vector<16xf32>,
        %add3A_1366 = arith.constant 48 : i32
        %add3A_1367 = vector.broadcast %add3A_1366 : i32 to vector<16xi32>
        %add3A_1368 = arith.addi %add3A_1343, %add3A_1367 : vector<16xi32>
        %gather3A_1369 = arith.constant 0 : i32
        %gather3A_1370 = arith.constant 0 : i32
        %gather3A_1371 = tpu.memref_slice %arg14[%rem3A_54, %gather3A_1369, %gather3A_1370] : memref<2x336x128xf32, #tpu.memory_space<vmem>> -> memref<1x336x128xf32, #tpu.memory_space<vmem>>
        %gather3A_1372 = tpu.memref_squeeze %gather3A_1371 : memref<1x336x128xf32, #tpu.memory_space<vmem>> -> memref<336x128xf32, #tpu.memory_space<vmem>>
        %gather3A_1373 = tpu.vector_load_idx %gather3A_1372[%broadcast_in_dim3A_1344, %add3A_1368] : memref<336x128xf32, #tpu.memory_space<vmem>>[vector<16xi32>, vector<16xi32>], vector<16xf32>,
        %mul3A_1374 = arith.mulf %gather3A_131, %gather3A_1290 : vector<16xf32>
        %mul3A_1375 = arith.mulf %gather3A_139, %gather3A_1298 : vector<16xf32>
        %add3A_1376 = arith.addf %mul3A_1374, %mul3A_1375 : vector<16xf32>
        %mul3A_1377 = arith.mulf %gather3A_147, %gather3A_1306 : vector<16xf32>
        %add3A_1378 = arith.addf %add3A_1376, %mul3A_1377 : vector<16xf32>
        %mul3A_1379 = arith.mulf %gather3A_155, %gather3A_1314 : vector<16xf32>
        %add3A_1380 = arith.addf %add3A_1378, %mul3A_1379 : vector<16xf32>
        %broadcast_in_dim3A_1381 = arith.constant true
        %broadcast_in_dim3A_1382 = vector.broadcast %broadcast_in_dim3A_1381 : i1 to vector<16xi1>
        %masked_cumsum3A_1383 = tpu.scan <sum>, %add3A_1380 masked %broadcast_in_dim3A_1382 : vector<16xf32>, vector<16xi1> -> vector<16xf32>
        tpu.vector_store_idx %arg15[%broadcast_in_dim3A_1285], %masked_cumsum3A_1383 masked %eq3A_8 : memref<336xf32, #tpu.memory_space<vmem>>[vector<16xi32>], vector<16xf32>, vector<16xi1>
        %mul3A_1384 = arith.mulf %gather3A_131, %gather3A_1349 : vector<16xf32>
        %mul3A_1385 = arith.mulf %gather3A_139, %gather3A_1357 : vector<16xf32>
        %add3A_1386 = arith.addf %mul3A_1384, %mul3A_1385 : vector<16xf32>
        %mul3A_1387 = arith.mulf %gather3A_147, %gather3A_1365 : vector<16xf32>
        %add3A_1388 = arith.addf %add3A_1386, %mul3A_1387 : vector<16xf32>
        %mul3A_1389 = arith.mulf %gather3A_155, %gather3A_1373 : vector<16xf32>
        %add3A_1390 = arith.addf %add3A_1388, %mul3A_1389 : vector<16xf32>
        %broadcast_in_dim3A_1391 = arith.constant true
        %broadcast_in_dim3A_1392 = vector.broadcast %broadcast_in_dim3A_1391 : i1 to vector<16xi1>
        %masked_cumsum3A_1393 = tpu.scan <sum>, %add3A_1390 masked %broadcast_in_dim3A_1392 : vector<16xf32>, vector<16xi1> -> vector<16xf32>
        tpu.vector_store_idx %arg15[%broadcast_in_dim3A_1344], %masked_cumsum3A_1393 masked %eq3A_8 : memref<336xf32, #tpu.memory_space<vmem>>[vector<16xi32>], vector<16xf32>, vector<16xi1>
      }
      %scan3A_108 = arith.constant 16 : i32
      %mul3A_109 = arith.constant 16 : i32
      %mul3A_110 = arith.muli %scan3A_53, %mul3A_109 : i32
      %add3A_111 = arith.addi %mul3A_2, %mul3A_110 : i32
      %mul3A_112 = arith.constant 21 : i32
      %mul3A_113 = arith.muli %add3A_111, %mul3A_112 : i32
      "tpu.region"() ({
        %run_scoped3A = tpu.sem_alloc : memref<!tpu.dma_semaphore, #tpu.memory_space<semaphore_mem>>
        %dma_start3A_114 = tpu.memref_slice %arg8[%mul3A_113] : memref<344064xf32, #tpu.memory_space<hbm>> -> memref<336xf32, #tpu.memory_space<hbm>>
        %dma_start3A_115 = tpu.memref_slice %arg8[%mul3A_113] : memref<344064xf32, #tpu.memory_space<hbm>> -> memref<336xf32, #tpu.memory_space<hbm>>
        tpu.enqueue_dma source(%arg15 : memref<336xf32, #tpu.memory_space<vmem>>) target(%dma_start3A_115 : memref<336xf32, #tpu.memory_space<hbm>>) target_semaphore(%run_scoped3A : memref<!tpu.dma_semaphore, #tpu.memory_space<semaphore_mem>>)
        %dma_wait3A_116 = tpu.memref_slice %arg8[%mul3A_113] : memref<344064xf32, #tpu.memory_space<hbm>> -> memref<336xf32, #tpu.memory_space<hbm>>
        %dma_wait3A_117 = tpu.memref_slice %arg8[%mul3A_113] : memref<344064xf32, #tpu.memory_space<hbm>> -> memref<336xf32, #tpu.memory_space<hbm>>
        tpu.wait_dma2 semaphore(%run_scoped3A : memref<!tpu.dma_semaphore, #tpu.memory_space<semaphore_mem>>) src(%arg15 : memref<336xf32, #tpu.memory_space<vmem>>) dst(%dma_wait3A_117 : memref<336xf32, #tpu.memory_space<hbm>>)
        tpu.yield
      }) : () -> ()
    }
    %scan3A_52 = arith.constant 32 : i32
    return
  }
}

module attributes {stable_mosaic.version = 14 : i64} {
  func.func @body(%arg0: i32, %arg1: memref<64x8192xf32, #tpu.memory_space<vmem>>, %arg2: memref<64x8192xf32, #tpu.memory_space<vmem>>, %arg3: memref<4096x128xf32, #tpu.memory_space<vmem>>, %arg4: memref<4096x128xf32, #tpu.memory_space<vmem>>) attributes {dimension_semantics = [#tpu.dimension_semantics<arbitrary>], iteration_bounds = array<i64: 246>, scalar_prefetch = 0 : i64, scratch_operands = 0 : i64, tpu.core_type = #tpu.core_type<tc>, window_params = [{transform_indices = @transform_0, window_bounds = array<i64: 64, 8192>}, {transform_indices = @transform_1, window_bounds = array<i64: 64, 8192>}, {transform_indices = @transform_2, window_bounds = array<i64: 4096, 128>}, {transform_indices = @transform_3, window_bounds = array<i64: 4096, 128>}]} {
    %lt3A = arith.constant 123 : i32
    %lt3A_0 = arith.cmpi slt, %arg0, %lt3A : i32
    %convert_element_type3A = arith.extui %lt3A_0 : i1 to i32
    %cond3A = arith.constant 0 : i32
    %cond3A_1 = arith.cmpi ne, %convert_element_type3A, %cond3A : i32
    scf.if %cond3A_1 {
      %get3A = arith.constant 0 : index
      %get3A_6 = arith.constant 0 : index
      %get3A_7 = vector.load %arg1[%get3A, %get3A_6] : memref<64x8192xf32, #tpu.memory_space<vmem>>, vector<64x8192xf32>
      %slice3A = vector.extract_strided_slice %get3A_7 {offsets = [0, 0], sizes = [64, 4096], strides = [1, 1]} : vector<64x8192xf32> to vector<64x4096xf32>
      %transpose3A = tpu.transpose %slice3A, [1, 0] : vector<64x4096xf32> -> vector<4096x64xf32>
      %swap3A = arith.constant 0 : index
      %swap3A_8 = arith.constant 0 : index
      %swap3A_9 = vector.load %arg3[%swap3A, %swap3A_8] : memref<4096x128xf32, #tpu.memory_space<vmem>>, vector<4096x64xf32>
      tpu.vector_store %arg3[%swap3A, %swap3A_8], %transpose3A {strides = array<i32>} : memref<4096x128xf32, #tpu.memory_space<vmem>>, vector<4096x64xf32>,
      %slice3A_10 = vector.extract_strided_slice %get3A_7 {offsets = [0, 4096], sizes = [64, 4096], strides = [1, 1]} : vector<64x8192xf32> to vector<64x4096xf32>
      %transpose3A_11 = tpu.transpose %slice3A_10, [1, 0] : vector<64x4096xf32> -> vector<4096x64xf32>
      %swap3A_12 = arith.constant 0 : index
      %swap3A_13 = arith.constant 64 : index
      %swap3A_14 = vector.load %arg3[%swap3A_12, %swap3A_13] : memref<4096x128xf32, #tpu.memory_space<vmem>>, vector<4096x64xf32>
      tpu.vector_store %arg3[%swap3A_12, %swap3A_13], %transpose3A_11 {strides = array<i32>} : memref<4096x128xf32, #tpu.memory_space<vmem>>, vector<4096x64xf32>,
    } else {
    }
    %ge3A = arith.constant 123 : i32
    %ge3A_2 = arith.cmpi sge, %arg0, %ge3A : i32
    %convert_element_type3A_3 = arith.extui %ge3A_2 : i1 to i32
    %cond3A_4 = arith.constant 0 : i32
    %cond3A_5 = arith.cmpi ne, %convert_element_type3A_3, %cond3A_4 : i32
    scf.if %cond3A_5 {
      %get3A = arith.constant 0 : index
      %get3A_6 = arith.constant 0 : index
      %get3A_7 = vector.load %arg2[%get3A, %get3A_6] : memref<64x8192xf32, #tpu.memory_space<vmem>>, vector<64x8192xf32>
      %slice3A = vector.extract_strided_slice %get3A_7 {offsets = [0, 0], sizes = [64, 4096], strides = [1, 1]} : vector<64x8192xf32> to vector<64x4096xf32>
      %transpose3A = tpu.transpose %slice3A, [1, 0] : vector<64x4096xf32> -> vector<4096x64xf32>
      %swap3A = arith.constant 0 : index
      %swap3A_8 = arith.constant 0 : index
      %swap3A_9 = vector.load %arg4[%swap3A, %swap3A_8] : memref<4096x128xf32, #tpu.memory_space<vmem>>, vector<4096x64xf32>
      tpu.vector_store %arg4[%swap3A, %swap3A_8], %transpose3A {strides = array<i32>} : memref<4096x128xf32, #tpu.memory_space<vmem>>, vector<4096x64xf32>,
      %slice3A_10 = vector.extract_strided_slice %get3A_7 {offsets = [0, 4096], sizes = [64, 4096], strides = [1, 1]} : vector<64x8192xf32> to vector<64x4096xf32>
      %transpose3A_11 = tpu.transpose %slice3A_10, [1, 0] : vector<64x4096xf32> -> vector<4096x64xf32>
      %swap3A_12 = arith.constant 0 : index
      %swap3A_13 = arith.constant 64 : index
      %swap3A_14 = vector.load %arg4[%swap3A_12, %swap3A_13] : memref<4096x128xf32, #tpu.memory_space<vmem>>, vector<4096x64xf32>
      tpu.vector_store %arg4[%swap3A_12, %swap3A_13], %transpose3A_11 {strides = array<i32>} : memref<4096x128xf32, #tpu.memory_space<vmem>>, vector<4096x64xf32>,
    } else {
    }
    return
  }
  func.func @transform_0(%arg0: i32) -> (i32, i32) {
    %min3A = arith.constant 122 : i32
    %min3A_0 = arith.minsi %arg0, %min3A : i32
    %c0_i32 = arith.constant 0 : i32
    %c0_i32_1 = arith.constant 0 : i32
    return %c0_i32, %min3A_0 : i32, i32
  }
  func.func @transform_1(%arg0: i32) -> (i32, i32) {
    %sub3A = arith.constant 123 : i32
    %sub3A_0 = arith.subi %arg0, %sub3A : i32
    %max3A = arith.constant 0 : i32
    %max3A_1 = arith.maxsi %sub3A_0, %max3A : i32
    %c0_i32 = arith.constant 0 : i32
    %c0_i32_2 = arith.constant 0 : i32
    return %c0_i32, %max3A_1 : i32, i32
  }
  func.func @transform_2(%arg0: i32) -> (i32, i32) {
    %min3A = arith.constant 122 : i32
    %min3A_0 = arith.minsi %arg0, %min3A : i32
    %c0_i32 = arith.constant 0 : i32
    %c0_i32_1 = arith.constant 0 : i32
    return %min3A_0, %c0_i32 : i32, i32
  }
  func.func @transform_3(%arg0: i32) -> (i32, i32) {
    %sub3A = arith.constant 123 : i32
    %sub3A_0 = arith.subi %arg0, %sub3A : i32
    %max3A = arith.constant 0 : i32
    %max3A_1 = arith.maxsi %sub3A_0, %max3A : i32
    %c0_i32 = arith.constant 0 : i32
    %c0_i32_2 = arith.constant 0 : i32
    return %max3A_1, %c0_i32 : i32, i32
  }
}

module attributes {stable_mosaic.version = 14 : i64} {
  func.func @body(%arg0: i32, %arg1: memref<43008xf32, #tpu.memory_space<vmem>>, %arg2: memref<1x1xf32, #tpu.memory_space<vmem>>, %arg3: memref<1x1xf32, #tpu.memory_space<vmem>>) attributes {dimension_semantics = [#tpu.dimension_semantics<arbitrary>], iteration_bounds = array<i64: 8>, scalar_prefetch = 0 : i64, scratch_operands = 0 : i64, tpu.core_type = #tpu.core_type<tc>, window_params = [{transform_indices = @transform_0, window_bounds = array<i64: 43008>}, {pipeline_mode = #tpu.pipeline_mode<synchronous>, transform_indices = @transform_1, window_bounds = array<i64: 1, 1>}, {pipeline_mode = #tpu.pipeline_mode<synchronous>, transform_indices = @transform_2, window_bounds = array<i64: 1, 1>}]} {
    %get3A = arith.constant 0 : index
    %get3A_0 = vector.load %arg1[%get3A] : memref<43008xf32, #tpu.memory_space<vmem>>, vector<43008xf32>
    %jit3A = arith.constant -6.000000e+00 : f32
    %jit3A_1 = arith.constant 6.000000e+00 : f32
    %max3A = vector.broadcast %jit3A : f32 to vector<43008xf32>
    %max3A_2 = arith.maximumf %max3A, %get3A_0 : vector<43008xf32>
    %min3A = vector.broadcast %jit3A_1 : f32 to vector<43008xf32>
    %min3A_3 = arith.minimumf %min3A, %max3A_2 : vector<43008xf32>
    %mul3A = arith.constant 43008 : i32
    %mul3A_4 = arith.muli %arg0, %mul3A : i32
    %iota3A = tpu.iota {dimensions = array<i32: 1>} : vector<1x43008xi32>
    %iota3A_5 = vector.shape_cast %iota3A : vector<1x43008xi32> to vector<43008xi32>
    %add3A = vector.broadcast %mul3A_4 : i32 to vector<43008xi32>
    %add3A_6 = arith.addi %add3A, %iota3A_5 : vector<43008xi32>
    %rem3A = arith.constant 21 : i32
    %rem3A_7 = vector.broadcast %rem3A : i32 to vector<43008xi32>
    %rem3A_8 = arith.remsi %add3A_6, %rem3A_7 : vector<43008xi32>
    %eq3A = arith.constant 0 : i32
    %eq3A_9 = vector.broadcast %eq3A : i32 to vector<43008xi32>
    %eq3A_10 = arith.cmpi eq, %rem3A_8, %eq3A_9 : vector<43008xi32>
    %neg3A = arith.constant 0.000000e+00 : f32
    %neg3A_11 = vector.broadcast %neg3A : f32 to vector<43008xf32>
    %neg3A_12 = arith.subf %neg3A_11, %min3A_3 : vector<43008xf32>
    %select_n3A = arith.select %eq3A_10, %neg3A_12, %min3A_3 : vector<43008xi1>, vector<43008xf32>
    %exp3A = math.exp %select_n3A : vector<43008xf32>
    %log1p3A = math.log1p %exp3A : vector<43008xf32>
    %jit3A_13 = arith.constant 0.000000e+00 : f32
    %broadcast_in_dim3A = vector.broadcast %jit3A_13 : f32 to vector<43008xf32>
    %select_n3A_14 = arith.select %eq3A_10, %log1p3A, %broadcast_in_dim3A : vector<43008xi1>, vector<43008xf32>
    %reduce_sum3A = vector.shape_cast %select_n3A_14 : vector<43008xf32> to vector<1x43008xf32>
    %reduce_sum3A_15 = arith.constant dense<0.000000e+00> : vector<1xf32>
    %reduce_sum3A_16 = vector.multi_reduction <add>, %reduce_sum3A, %reduce_sum3A_15 [1] : vector<1x43008xf32> to vector<1xf32>
    %reduce_sum3A_17 = vector.shape_cast %reduce_sum3A_16 : vector<1xf32> to vector<1x1xf32>
    %reduce_sum3A_18 = vector.extract %reduce_sum3A_17[0, 0] : f32 from vector<1x1xf32>
    %jit3A_19 = arith.constant 0.000000e+00 : f32
    %broadcast_in_dim3A_20 = vector.broadcast %jit3A_19 : f32 to vector<43008xf32>
    %select_n3A_21 = arith.select %eq3A_10, %broadcast_in_dim3A_20, %log1p3A : vector<43008xi1>, vector<43008xf32>
    %reduce_sum3A_22 = vector.shape_cast %select_n3A_21 : vector<43008xf32> to vector<1x43008xf32>
    %reduce_sum3A_23 = arith.constant dense<0.000000e+00> : vector<1xf32>
    %reduce_sum3A_24 = vector.multi_reduction <add>, %reduce_sum3A_22, %reduce_sum3A_23 [1] : vector<1x43008xf32> to vector<1xf32>
    %reduce_sum3A_25 = vector.shape_cast %reduce_sum3A_24 : vector<1xf32> to vector<1x1xf32>
    %reduce_sum3A_26 = vector.extract %reduce_sum3A_25[0, 0] : f32 from vector<1x1xf32>
    %eq3A_27 = arith.constant 0 : i32
    %eq3A_28 = arith.cmpi eq, %arg0, %eq3A_27 : i32
    %convert_element_type3A = arith.extui %eq3A_28 : i1 to i32
    %cond3A = arith.constant 0 : i32
    %cond3A_29 = arith.cmpi ne, %convert_element_type3A, %cond3A : i32
    scf.if %cond3A_29 {
      %broadcast_in_dim3A_45 = arith.constant 0.000000e+00 : f32
      %broadcast_in_dim3A_46 = vector.broadcast %broadcast_in_dim3A_45 : f32 to vector<1x1xf32>
      %swap3A_47 = arith.constant 0 : index
      %swap3A_48 = arith.constant 0 : index
      %swap3A_49 = vector.load %arg2[%swap3A_47, %swap3A_48] : memref<1x1xf32, #tpu.memory_space<vmem>>, vector<1x1xf32>
      tpu.vector_store %arg2[%swap3A_47, %swap3A_48], %broadcast_in_dim3A_46 {strides = array<i32>} : memref<1x1xf32, #tpu.memory_space<vmem>>, vector<1x1xf32>,
      %broadcast_in_dim3A_50 = arith.constant 0.000000e+00 : f32
      %broadcast_in_dim3A_51 = vector.broadcast %broadcast_in_dim3A_50 : f32 to vector<1x1xf32>
      %swap3A_52 = arith.constant 0 : index
      %swap3A_53 = arith.constant 0 : index
      %swap3A_54 = vector.load %arg3[%swap3A_52, %swap3A_53] : memref<1x1xf32, #tpu.memory_space<vmem>>, vector<1x1xf32>
      tpu.vector_store %arg3[%swap3A_52, %swap3A_53], %broadcast_in_dim3A_51 {strides = array<i32>} : memref<1x1xf32, #tpu.memory_space<vmem>>, vector<1x1xf32>,
    } else {
    }
    %get3A_30 = arith.constant 0 : index
    %get3A_31 = arith.constant 0 : index
    %get3A_32 = vector.load %arg2[%get3A_30, %get3A_31] : memref<1x1xf32, #tpu.memory_space<vmem>>, vector<1x1xf32>
    %broadcast_in_dim3A_33 = vector.broadcast %reduce_sum3A_18 : f32 to vector<1x1xf32>
    %add3A_34 = arith.addf %get3A_32, %broadcast_in_dim3A_33 : vector<1x1xf32>
    %swap3A = arith.constant 0 : index
    %swap3A_35 = arith.constant 0 : index
    %swap3A_36 = vector.load %arg2[%swap3A, %swap3A_35] : memref<1x1xf32, #tpu.memory_space<vmem>>, vector<1x1xf32>
    tpu.vector_store %arg2[%swap3A, %swap3A_35], %add3A_34 {strides = array<i32>} : memref<1x1xf32, #tpu.memory_space<vmem>>, vector<1x1xf32>,
    %get3A_37 = arith.constant 0 : index
    %get3A_38 = arith.constant 0 : index
    %get3A_39 = vector.load %arg3[%get3A_37, %get3A_38] : memref<1x1xf32, #tpu.memory_space<vmem>>, vector<1x1xf32>
    %broadcast_in_dim3A_40 = vector.broadcast %reduce_sum3A_26 : f32 to vector<1x1xf32>
    %add3A_41 = arith.addf %get3A_39, %broadcast_in_dim3A_40 : vector<1x1xf32>
    %swap3A_42 = arith.constant 0 : index
    %swap3A_43 = arith.constant 0 : index
    %swap3A_44 = vector.load %arg3[%swap3A_42, %swap3A_43] : memref<1x1xf32, #tpu.memory_space<vmem>>, vector<1x1xf32>
    tpu.vector_store %arg3[%swap3A_42, %swap3A_43], %add3A_41 {strides = array<i32>} : memref<1x1xf32, #tpu.memory_space<vmem>>, vector<1x1xf32>,
    return
  }
  func.func @transform_0(%arg0: i32) -> i32 {
    %c0_i32 = arith.constant 0 : i32
    return %arg0 : i32
  }
  func.func @transform_1(%arg0: i32) -> (i32, i32) {
    %c0_i32 = arith.constant 0 : i32
    %c0_i32_0 = arith.constant 0 : i32
    %c0_i32_1 = arith.constant 0 : i32
    return %c0_i32, %c0_i32_0 : i32, i32
  }
  func.func @transform_2(%arg0: i32) -> (i32, i32) {
    %c0_i32 = arith.constant 0 : i32
    %c0_i32_0 = arith.constant 0 : i32
    %c0_i32_1 = arith.constant 0 : i32
    return %c0_i32, %c0_i32_0 : i32, i32
  }
}

</mosaic_0001>

<sc_bundles>
// kernel: kernel.5.cloned.1.call-start
scs
__scs_entry_jumppad:
0x0: {  	(pc) =	sbr.rel $0x88, $3  }
0x1: {  	(tag) =	ssettag $0x0;
	lr =	simm.s32 $0x1  }
0x2: {  	[smem:$0x3F9C] =	sst lr;
	_ =	strace $0xD0000000  }
0x3: {  	_ = 	snop  }
0x4: {  	_ = 	snop  }
0x5: {  	_ = 	snop  }
0x6: {  	_ = 	snop  }
0x7: {  	_ = 	snop  }
__scs_overlays_trampoline_lowered:
0x8: {  	[smem:$0x3FAB] =	sst s0  }
0x9: {  	[smem:$0x3FAC] =	sst s1  }
0xa: {  	[smem:$0x3FAD] =	sst s2  }
0xb: {  	[smem:$0x3FAE] =	sst s3  }
0xc: {  	[smem:$0x3FAF] =	sst s4  }
0xd: {  	[smem:$0x3FB0] =	sst s5  }
0xe: {  	[smem:$0x3FB1] =	sst s6  }
0xf: {  	[smem:$0x3FB2] =	sst s7  }
0x10: {  	[smem:$0x3FB3] =	sst s8  }
0x11: {  	[smem:$0x3FB4] =	sst s9;
	s0 =	simm.s32 @!p0 $0x0  }
0x12: {  	s1 =	sld [smem:$0x3F9A];
	s0 =	simm.s32 @p0 $0x1  }
0x13: {  	[smem:$0x3FB5] =	sst s0;
	s0 =	simm.s32 @!p1 $0x0  }
0x14: {  	s2 =	sld [smem:$0x3F99];
	s0 =	simm.s32 @p1 $0x1  }
0x15: {  	[smem:$0x3FB6] =	sst s0;
	s0 =	simm.s32 @!p2 $0x0  }
0x16: {  	s3 =	sld [smem:$0x3FDB];
	s0 =	simm.s32 @p2 $0x1  }
0x17: {  	s4 =	simm.s32 $0x1BF5;
	[smem:$0x3FB8] =	sst s0  }
0x18: {  	s0 =	sld [smem:$0x3F9B];
	_ =	swait.ge [sflag:s4], $0x0  }
0x19: {  	s7 =	sld [smem:$0x3F9C]  }
0x1a: {  	s8 =	sadd.s32 $0xFFFFE003, lr  }
0x1b: {  	s9 =	sadd.s32 $0xFFFFFEF7, lr;
	s5 =	simm.s32 $0xFFFFFFFF;
	p2 =	slt.u32 s8, $0xFFFFF086  }
0x1c: {  	p1 =	slt.u32 s9, $0xF7A;
	s5 =	simm.s32 @!p2 $0x0  }
0x1d: {  	s5 =	simm.s32 @p1 $0x1;
	p0 =	seq.s32 s7, s2  }
0x1e: {  	s7 =	smul.u32 @!p0 $0xF7A, s2;
	p2 =	seq.s32 @!p0 s5, $0x0  }
0x1f: {  	s9 =	smul.u32 $0xF7A, s1;
	s8 =	simm.s32 @!p0 $0x1BF5;
	p2 =	por !p2, p0  }
0x20: {  	[sflag:s8] =	ssyncset.s32 @!p0 $0xFFFFF086;
	s6 =	sadd.s32 @!p0 s3, s7;
	s7 =	simm.s32 @!p0 $0x108  }
0x21: {  	s3 =	sadd.s32 s3, s9;
	s6 =	sadd.s32 @!p0 $0x88, s6;
	s7 =	simm.s32 @p2 $0x1082  }
0x22: {  	[simem:s7], [sflag:s8] =	dma.local @!p0 [hbm:s6], $0xF7A  }
0x23: {  	s9 =	sor.u32 $0xD0000000, s2;
	s6 =	simm.s32 $0x108;
	_ =	swait.ge @!p0 [sflag:s8], $0x0  }
0x24: {  	s3 =	sadd.s32 $0x88, s3;
	s6 =	simm.s32 @!p1 $0x1082;
	[sflag:s4] =	ssyncset.s32 $0xFFFFF086  }
0x25: {  	[simem:s6], [sflag:s4] =	dma.local [hbm:s3], $0xF7A  }
0x26: {  	[smem:$0x3F9C] =	sst s1;
	(tag) =	ssettag s2;
	_ =	strace s9  }
0x27: {  	s1 =	sld [smem:$0x3FAC]  }
0x28: {  	s2 =	sld [smem:$0x3FAD]  }
0x29: {  	s4 =	sld [smem:$0x3FAF]  }
0x2a: {  	p0 =	seq.s32 s5, $0x0;
	s5 =	sld [smem:$0x3FB0]  }
0x2b: {  	s6 =	sld [smem:$0x3FB1]  }
0x2c: {  	s7 =	sld [smem:$0x3FB2]  }
0x2d: {  	s3 =	simm.s32 $0x108;
	s8 =	sld [smem:$0x3FB3]  }
0x2e: {  	s3 =	simm.s32 @!p0 $0x1082;
	s9 =	sld [smem:$0x3FB4]  }
0x2f: {  	lr =	sadd.s32 s0, s3;
	s0 =	sld [smem:$0x3FAB]  }
0x30: {  	s3 =	sld [smem:$0x3FAE]  }
0x31: {  	[smem:$0x3FB7] =	sst s10  }
0x32: {  	s10 =	sld [smem:$0x3FB5];
	_ =	sdelay $0x3  }
0x33: {  	p0 =	seq.s32 s10, $0x1;
	s10 =	sld [smem:$0x3FB7];
	_ =	sdelay $0x3  }
0x34: {  	[smem:$0x3FB7] =	sst s10  }
0x35: {  	s10 =	sld [smem:$0x3FB6];
	_ =	sdelay $0x3  }
0x36: {  	p1 =	seq.s32 s10, $0x1;
	s10 =	sld [smem:$0x3FB7];
	_ =	sdelay $0x3  }
0x37: {  	[smem:$0x3FB7] =	sst s10  }
0x38: {  	s10 =	sld [smem:$0x3FB8]  }
0x39: {  	_ = 	snop;
	(pc) =	sbr.ind lr, $3  }
0x3a: {  	_ = 	snop  }
0x3b: {  	_ = 	snop  }
0x3c: {  	p2 =	seq.s32 s10, $0x1;
	s10 =	sld [smem:$0x3FB7]  }
0x3d: {  	_ =	shalt  }
0x3e: {  	_ =	shalt  }
0x3f: {  	_ =	shalt  }
0x40: {  	_ =	shalt  }
0x41: {  	_ =	shalt  }
0x42: {  	_ =	shalt  }
0x43: {  	_ =	shalt  }
0x44: {  	_ =	shalt  }
0x45: {  	_ =	shalt  }
0x46: {  	_ =	shalt  }
0x47: {  	_ =	shalt  }
0x48: {  	_ =	shalt  }
0x49: {  	_ =	shalt  }
0x4a: {  	_ =	shalt  }
0x4b: {  	_ =	shalt  }
0x4c: {  	_ =	shalt  }
0x4d: {  	_ =	shalt  }
0x4e: {  	_ =	shalt  }
0x4f: {  	_ =	shalt  }
0x50: {  	_ =	shalt  }
0x51: {  	_ =	shalt  }
0x52: {  	_ =	shalt  }
0x53: {  	_ =	shalt  }
0x54: {  	_ =	shalt  }
0x55: {  	_ =	shalt  }
0x56: {  	_ =	shalt  }
0x57: {  	_ =	shalt  }
0x58: {  	_ =	shalt  }
0x59: {  	_ =	shalt  }
0x5a: {  	_ =	shalt  }
0x5b: {  	_ =	shalt  }
0x5c: {  	_ =	shalt  }
0x5d: {  	_ =	shalt  }
0x5e: {  	_ =	shalt  }
0x5f: {  	_ =	shalt  }
0x60: {  	_ =	shalt  }
0x61: {  	_ =	shalt  }
0x62: {  	_ =	shalt  }
0x63: {  	_ =	shalt  }
0x64: {  	_ =	shalt  }
0x65: {  	_ =	shalt  }
0x66: {  	_ =	shalt  }
0x67: {  	_ =	shalt  }
0x68: {  	_ =	shalt  }
0x69: {  	_ =	shalt  }
0x6a: {  	_ =	shalt  }
0x6b: {  	_ =	shalt  }
0x6c: {  	_ =	shalt  }
0x6d: {  	_ =	shalt  }
0x6e: {  	_ =	shalt  }
0x6f: {  	_ =	shalt  }
0x70: {  	_ =	shalt  }
0x71: {  	_ =	shalt  }
0x72: {  	_ =	shalt  }
0x73: {  	_ =	shalt  }
0x74: {  	_ =	shalt  }
0x75: {  	_ =	shalt  }
0x76: {  	_ =	shalt  }
0x77: {  	_ =	shalt  }
0x78: {  	_ =	shalt  }
0x79: {  	_ =	shalt  }
0x7a: {  	_ =	shalt  }
0x7b: {  	_ =	shalt  }
0x7c: {  	_ =	shalt  }
0x7d: {  	_ =	shalt  }
0x7e: {  	_ =	shalt  }
0x7f: {  	_ =	shalt  }
0x80: {  	_ =	shalt  }
0x81: {  	_ =	shalt  }
0x82: {  	_ =	shalt  }
0x83: {  	_ =	shalt  }
0x84: {  	_ =	shalt  }
0x85: {  	_ =	shalt  }
0x86: {  	_ =	shalt  }
0x87: {  	_ =	shalt  }
.Lfunc_end0:
.L_simem_size_0:
called_computation_lowered:
.L_overlay_start_0:
0x88: {  	s2 =	sld [smem:$0x3FD9]  }
0x89: {  	s3 =	sld [smem:$0x3FFE];
	_ =	sdelay $0x1  }
0x8a: {  	s1 =	srdreg.scid  }
0x8b: {  	s0 =	sand.u32 $0x1, s1  }
0x8c: {  	s17 =	sshll.u32 s0, $0xA;
	s2 =	sadd.s32 s3, s2  }
0x8d: {  	s2 =	sadd.s32 s2, s17  }
0x8e: {  	[smem:$0x3FC3] =	sst s2  }
0x8f: {  	_ = 	snop  }
0x90: {  	s2 =	sld [smem:$0x3FC9];
	(tm) =	ssettm $0x1  }
0x91: {  	s18 =	sld [smem:$0x3FFB];
	_ =	sdelay $0x3  }
0x92: {  	_ =	strace s18  }
0x93: {  	s3 =	sld [smem:$0x3FFC];
	_ =	sdelay $0x3  }
0x94: {  	_ =	strace s3  }
0x95: {  	s3 =	sld [smem:$0x3FFD];
	_ =	sdelay $0x3  }
0x96: {  	_ =	strace s3  }
0x97: {  	_ =	strace $0x8FFFFFFF  }
0x98: {  	s19 =	sld [smem:$0x3FDB];
	_ =	sdelay $0x1  }
0x99: {  	s4 =	simm.s32 $_scs_section_size  }
0x9a: {  	s5 =	simm.s32 $_size__tile_overlayer_lowered;
	s6 =	simm.s32 $_tile_overlayer_lowered  }
0x9b: {  	s22 =	simm.s32 $0x1BFF;
	s21 =	sshll.u32 s6, $0x1;
	s3 =	sadd.s32 s4, s19  }
0x9c: {  	s7 =	simm.s32 $0x0;
	s20 =	sshll.u32 s5, $0x1;
	s5 =	sadd.s32 s21, s3  }
0x9d: {  	[timem:s7], [sflag:s22] =	dma.local [hbm:s5], s20  }
0x9e: {  	_ =	swait.ge [sflag:s22], s20  }
0x9f: {  	s4 =	ssub.s32 $0x0, s20;
	[sflag:s22] =	ssyncset.done $0x0  }
0xa0: {  	[sflag:s22] =	ssyncadd.s32 s4;
	_ =	sdelay $0x1  }
0xa1: {  	s23 =	simm.s32 $0x1B8B  }
0xa2: {  	_ =	swait.ge [sflag:s23], $0x1  }
0xa3: {  	[sflag:s23] =	ssyncset.done $0x0  }
0xa4: {  	s25 =	simm.s32 $0x1B8E;
	s24 =	sld [smem:$0x3FFE];
	[sflag:s23] =	ssyncadd.s32 $0xFFFFFFFF  }
0xa5: {  	s26 =	simm.s32 $execute0_lowered;
	[smem:$0x3FD2] =	sst s25  }
0xa6: {  	s5 =	sshll.u32 s26, $0x1;
	_ =	strace $0x80000046;
	[dreg:$0x1] =	wrdreg $0xFFFFFFFF  }
0xa7: {  	s28 =	simm.s32 $_size_execute0_lowered;
	s3 =	sadd.s32 s3, s5;
	[dreg:$0x0] =	wrdreg $0x0  }
0xa8: {  	s5 =	sshll.u32 s28, $0x1;
	[dreg:$0x2] =	wrdreg s3  }
0xa9: {  	[dreg:$0x3] =	wrdreg s5  }
0xaa: {  	[dreg:$0x4] =	wrdreg $0xC0  }
0xab: {  	_ =	task [dreg:s7], $0x5FFFF  }
0xac: {  	[dreg:$0x1] =	wrdreg $0xFFFFFFFF  }
0xad: {  	[dreg:$0x0] =	wrdreg $0x60  }
0xae: {  	[dreg:$0x2] =	wrdreg s2  }
0xaf: {  	[dreg:$0x3] =	wrdreg s24  }
0xb0: {  	[dreg:$0x4] =	wrdreg $0x9  }
0xb1: {  	_ =	task.clear_ibuf [dreg:s7], $0x5FFFF;
	_ =	strace $0x90000046  }
0xb2: {  	s29 =	simm.s32 $0x9;
	_ =	strace $0x80000048  }
0xb3: {  	_ =	swait.ge [sflag:s29], $0x1  }
0xb4: {  	[sflag:s29] =	ssyncadd.s32 $0xFFFFFFFF  }
0xb5: {  	_ =	strace $0x90000048  }
0xb6: {  	_ =	sfence  }
0xb7: {  	s30 =	sld [smem:$0x0];
	_ =	sdelay $0x2  }
0xb8: {  	s31 =	sshll.u32 s1, $0xD;
	s1 =	sshrl.u32 s1, $0x2  }
0xb9: {  	s3 =	sand.u32 $0x4000, s31;
	s1 =	sadd.s32 s1, s30  }
0xba: {  	s0 =	sor.u32 s3, s0;
	s1 =	sshll.u32 s1, $0x11  }
0xbb: {  	s0 =	sor.u32 s1, s0  }
0xbc: {  	s0 =	sadd.s32 $0x8F2B, s0  }
0xbd: {  	[sflag:s0] =	ssyncadd.remote.s32 $0x1  }
0xbe: {  	_ =	sfence.sel $0xFFFF  }
0xbf: {  	[dreg:$0x0] =	wrdreg $0xFFFFFFFF;
	(pc) =	sbr.abs _section_cstart, $3  }
0xc0: {  	[dreg:$0x1] =	wrdreg $0xFFFFFFFF  }
0xc1: {  	_ =	task.clear_ibuf [dreg:s7], $0x2FFFF;
	_ =	strace $0x9FFFFFFF  }
0xc2: {  	(tm) =	ssettm $0x7FFFFFFF  }
0xc3: {  	_ =	shalt  }
tec
execute0_lowered:
.L_overlay_start_1:
0x0: {  	(tag) =	ssettag $0x1  }
0x1: {  	s0 =	rddreg [dreg:$0x0]  }
0x2: {  	s1 =	srdreg.scid;
	s2 =	stileid.u32  }
0x3: {  	s5 =	rddreg [dreg:$0x1];
	s12 =	simm.s32 $0x3;
	s13 =	simm.s32 $0x200  }
0x4: {  	s14 =	simm.s32 $0x400;
	s15 =	simm.s32 $0x2E00;
	s16 =	simm.s32 $0x80  }
0x5: {  	s24 =	simm.s32 $0x5800;
	s25 =	simm.s32 $0x2;
	s26 =	simm.s32 $0x1  }
0x6: {  	s28 =	simm.s32 $0x1B800;
	s29 =	simm.s32 $0x0;
	s1 =	sand.u32 $0x1, s1  }
0x7: {  	s3 =	sshll.u32 s2, $0x1;
	s2 =	simm.s32 $0x0;
	s4 =	sadd.s32 $0x7C6400, s5  }
0x8: {  	s6 =	sor.u32 s1, s3;
	[smem:$0x7FF] =	sst s2;
	s1 =	ssub.s32 $0x2, s1  }
0x9: {  	s7 =	sshll.u32 s6, $0x6;
	s3 =	smul.u32 $0x540, s6;
	_ =	strace $0x80000047  }
0xa: {  	s9 =	sshrl.u32 s1, $0x1;
	s6 =	sshll.u32 s6, $0x9;
	s8 =	sadd.s32 s7, s5  }
0xb: {  	s1 =	ssub.s32 s1, s9;
	s7 =	sadd.s32 s0, s7;
	s10 =	sadd.s32 s3, s5  }
0xc: {  	v0 =	vlaneseq.u32;
	vm0 =	vcmask $0x3F3C;
	s3 =	sadd.s32 $0x16400, s5;
	s5 =	sadd.s32 $0xF76400, s5;
	s8 =	sadd.s32 $0xC00, s8  }
0xd: {  	v1 =	vor.u32 $0x10, v0;
	v2 =	vor.u32 $0x20, v0;
	v3 =	vor.u32 $0x30, v0;
	s11 =	smax.u32 s1, $0x1;
	s9 =	sadd.s32 $0x1400, s10;
	s10 =	sadd.s32 $0xBC00, s10  }
.LBB2_1:
0xe: {  	[tilespmem:s2], [sflag:$0x3] =	stream.linear.gather [hbm4b:s7+s2], $0x200, $0x38;
	[tilespmem:$0x1B980] =	vst v63  }
0xf: {  	_ =	swait.ge [sflag:s12], $0x200  }
0x10: {  	[sflag:s12] =	ssyncset.done $0x0  }
0x11: {  	[sflag:s12] =	ssyncadd.s32 $0xFFFFFE00  }
0x12: {  	[tilespmem:s13], [sflag:$0x3] =	stream.linear.gather [hbm4b:s8+s2], $0x200, $0x38;
	[tilespmem:$0x1B980] =	vst v63  }
0x13: {  	_ =	swait.ge [sflag:s12], $0x200  }
0x14: {  	[sflag:s12] =	ssyncset.done $0x0  }
0x15: {  	[sflag:s12] =	ssyncadd.s32 $0xFFFFFE00  }
0x16: {  	[tilespmem:s14], [sflag:$0x3] =	stream.linear.gather [hbm4b:s9+s2], $0x2A00, $0x38;
	[tilespmem:$0x1B980] =	vst v63  }
0x17: {  	_ =	swait.ge [sflag:s12], $0x2A00  }
0x18: {  	[sflag:s12] =	ssyncset.done $0x0  }
0x19: {  	[sflag:s12] =	ssyncadd.s32 $0xFFFFD600  }
0x1a: {  	[tilespmem:s15], [sflag:$0x3] =	stream.linear.gather [hbm4b:s10+s2], $0x2A00, $0x38;
	[tilespmem:$0x1B980] =	vst v63  }
0x1b: {  	_ =	swait.ge [sflag:s12], $0x2A00  }
0x1c: {  	[sflag:s12] =	ssyncset.done $0x0  }
0x1d: {  	s0 =	simm.s32 $0x6800;
	[sflag:s12] =	ssyncadd.s32 $0xFFFFD600  }
0x1e: {  	[tilespmem:s0], [sflag:$0x2] =	stream.indirect.gather [hbm4b:s4+s16], $0x80, s15, s16, $0xb8;
	[tilespmem:$0x1B980] =	vst v63  }
0x1f: {  	s20 =	simm.s32 $0x2E80;
	s1 =	simm.s32 $0xA800;
	s21 =	simm.s32 $0x50  }
0x20: {  	[tilespmem:s1], [sflag:$0x2] =	stream.indirect.gather [hbm4b:s4+s16], $0x80, s20, s16, $0xb8;
	[tilespmem:$0x1B980] =	vst v63  }
0x21: {  	s22 =	simm.s32 $0x2F00;
	s17 =	simm.s32 $0xE800;
	s23 =	simm.s32 $0x10  }
0x22: {  	[tilespmem:s17], [sflag:$0x2] =	stream.indirect.gather [hbm4b:s4+s21], $0x80, s22, s21, $0xb8;
	[tilespmem:$0x1B980] =	vst v63  }
0x23: {  	s30 =	simm.s32 $0x0;
	s31 =	simm.s32 $0x0;
	s1 =	simm.s32 $0x0  }
0x24: {  	[tilespmem:s24], [sflag:$0x1] =	stream.indirect.gather [hbm4b:s3+s23], $0x80, s13, s23, $0xb8;
	[tilespmem:$0x1B980] =	vst v63  }
.LBB2_2:
0x25: {  	s0 =	sand.u32 $0x1, s1;
	p0 =	seq.s32 s1, $0x1F  }
0x26: {  	s17 =	sxor.u32 @!p0 $0x1, s0  }
0x27: {  	s18 =	sadd.s32 @!p0 $0x1, s1;
	s19 =	smul.u32 @!p0 $0x2A000, s17  }
0x28: {  	s20 =	smul.u32 @!p0 $0x540, s18  }
0x29: {  	s23 =	simm.s32 @!p0 $0x80  }
0x2a: {  	s18 =	sshll.u32 @!p0 s18, $0x4;
	s19 =	sshrl.u32 @!p0 s19, $0x2;
	s20 =	sshra.s32 @!p0 s20, $0x2  }
0x2b: {  	s17 =	sshll.u32 @!p0 s17, $0xB;
	s21 =	sadd.s32 @!p0 $0x6800, s19;
	s22 =	sadd.s32 @!p0 $0x2E00, s20  }
0x2c: {  	[tilespmem:s21], [sflag:$0x2] =	stream.indirect.gather @!p0 [hbm4b:s4+s23], $0x80, s22, s23, $0xb8;
	[tilespmem:$0x1B980] =	vst v63  }
0x2d: {  	s18 =	sand.u32 @!p0 $0x3FFFFFF0, s18;
	s21 =	sadd.s32 @!p0 $0xA800, s19;
	s22 =	sadd.s32 @!p0 $0x2E80, s20  }
0x2e: {  	[tilespmem:s21], [sflag:$0x2] =	stream.indirect.gather @!p0 [hbm4b:s4+s23], $0x80, s22, s23, $0xb8;
	[tilespmem:$0x1B980] =	vst v63  }
0x2f: {  	s19 =	sadd.s32 @!p0 $0xE800, s19;
	s20 =	sadd.s32 @!p0 $0x2F00, s20;
	s21 =	simm.s32 @!p0 $0x50  }
0x30: {  	[tilespmem:s19], [sflag:$0x2] =	stream.indirect.gather @!p0 [hbm4b:s4+s21], $0x80, s20, s21, $0xb8;
	[tilespmem:$0x1B980] =	vst v63  }
0x31: {  	s17 =	sadd.s32 @!p0 $0x5800, s17;
	s18 =	sadd.s32 @!p0 $0x200, s18;
	s19 =	simm.s32 @!p0 $0x10  }
0x32: {  	[tilespmem:s17], [sflag:$0x1] =	stream.indirect.gather @!p0 [hbm4b:s3+s19], $0x80, s18, s19, $0xb8;
	[tilespmem:$0x1B980] =	vst v63  }
0x33: {  	_ =	swait.ge [sflag:s25], $0x4000  }
0x34: {  	[sflag:s25] =	ssyncset.done $0x0  }
0x35: {  	[sflag:s25] =	ssyncadd.s32 $0xFFFFC000  }
0x36: {  	_ =	swait.ge [sflag:s25], $0x4000  }
0x37: {  	[sflag:s25] =	ssyncset.done $0x0  }
0x38: {  	[sflag:s25] =	ssyncadd.s32 $0xFFFFC000  }
0x39: {  	_ =	swait.ge [sflag:s25], $0x2800  }
0x3a: {  	[sflag:s25] =	ssyncset.done $0x0  }
0x3b: {  	s22 =	smul.u32 $0x2A000, s0;
	s23 =	sshll.u32 s0, $0xB;
	[sflag:s25] =	ssyncadd.s32 $0xFFFFD800  }
0x3c: {  	s0 =	sshll.u32 s1, $0x4;
	s20 =	simm.s32 $0x14;
	_ =	swait.ge [sflag:s26], $0x800  }
0x3d: {  	s17 =	sadd.s32 $0x5800, s23;
	s18 =	sshrl.u32 s22, $0x2;
	[sflag:s26] =	ssyncset.done $0x0  }
0x3e: {  	s19 =	simm.s32 $0x0;
	s18 =	sadd.s32 $0x6800, s18;
	[sflag:s26] =	ssyncadd.s32 $0xFFFFF800  }
.LBB2_3:
0x3f: {  	s21 =	sadd.s32 s19, s30  }
0x40: {  	v4 =	vmov s21;
	s21 =	sadd.s32 s20, s31  }
0x41: {  	s22 =	sadd.s32 $0xFFFFFFEC, s21  }
0x42: {  	v5 =	vmov s22;
	_ =	sdelay $0x2  }
0x43: {  	v4 =	vld.idx.msk [tilespmem:v4+s2+$0x0], $0xffff;
	_ =	sdelay $0x1  }
0x44: {  	v5 =	vld.idx.msk [tilespmem:v5+s14+$0x0], $0xffff;
	_ =	sdelay $0x2  }
0x45: {  	v4 =	vshrl.u32 v4, $0x6  }
0x46: {  	s23 =	sadd.s32 $0xFFFFFFEC, s20;
	s22 =	sshll.u32 s19, $0x7;
	v4 =	vand.u32 $0x40, v4  }
0x47: {  	v8 =	vmov s23;
	v6 =	vor.u32 s22, v4;
	v4 =	vshrl.u32 v5, $0x6  }
0x48: {  	v7 =	vshll.u32 v8, $0x7;
	v5 =	vor.u32 v0, v6;
	v4 =	vand.u32 $0x40, v4  }
0x49: {  	v9 =	vor.u32 v1, v6;
	v7 =	vor.u32 v7, v4  }
0x4a: {  	v10 =	vor.u32 v0, v7  }
0x4b: {  	v11 =	vor.u32 v1, v7  }
0x4c: {  	v12 =	vor.u32 v2, v6  }
0x4d: {  	v13 =	vor.u32 v2, v7;
	v4 =	vld.idx.msk [tilespmem:v5+s17+$0x0], $0xffff  }
0x4e: {  	v39 =	vor.u32 v3, v6;
	v5 =	vld.idx.msk [tilespmem:v9+s17+$0x0], $0xffff  }
0x4f: {  	v14 =	vor.u32 v3, v7;
	v10 =	vld.idx.msk [tilespmem:v10+s18+$0x0], $0xffff  }
0x50: {  	v11 =	vld.idx.msk [tilespmem:v11+s18+$0x0], $0xffff  }
0x51: {  	v6 =	vld.idx.msk [tilespmem:v12+s17+$0x0], $0xffff  }
0x52: {  	s23 =	sadd.s32 $0xFFFFFFED, s21;
	v40 =	vld.idx.msk [tilespmem:v13+s18+$0x0], $0xffff  }
0x53: {  	v41 =	vmov s23;
	v7 =	vld.idx.msk [tilespmem:v39+s17+$0x0], $0xffff  }
0x54: {  	v42 =	vld.idx.msk [tilespmem:v14+s18+$0x0], $0xffff  }
0x55: {  	v10 =	vmul.f32 v10, v4;
	v11 =	vmul.f32 v11, v5;
	_ =	sdelay $0x1  }
0x56: {  	v43 =	vmul.f32 v40, v6;
	v10 =	vadd.f32 v11, v10  }
0x57: {  	v13 =	vld.idx.msk [tilespmem:v41+s14+$0x0], $0xffff  }
0x58: {  	v9 =	vmul.f32 v42, v7;
	v10 =	vadd.f32 v43, v10;
	_ =	sdelay $0x1  }
0x59: {  	v9 =	vadd.f32 v9, v10  }
0x5a: {  	s23 =	sadd.s32 $0xFFFFFFED, s20  }
0x5b: {  	v45 =	vmov s23;
	v44 =	vshrl.u32 v13, $0x6;
	(xrf2) =	vadd.scan.msk.f32 $0xffff, v9  }
0x5c: {  	v46 =	vshll.u32 v45, $0x7;
	v10 =	vand.u32 $0x40, v44  }
0x5d: {  	v47 =	vor.u32 v46, v10  }
0x5e: {  	v10 =	vor.u32 v0, v47  }
0x5f: {  	v12 =	vor.u32 v1, v47  }
0x60: {  	v48 =	vor.u32 v2, v47  }
0x61: {  	s23 =	sadd.s32 $0xFFFFFFEE, s21;
	v9 =	vor.u32 v3, v47  }
0x62: {  	v49 =	vmov s23  }
0x63: {  	v10 =	vld.idx.msk [tilespmem:v10+s18+$0x0], $0xffff  }
0x64: {  	v12 =	vld.idx.msk [tilespmem:v12+s18+$0x0], $0xffff  }
0x65: {  	v13 =	vld.idx.msk [tilespmem:v48+s18+$0x0], $0xffff;
	v15, _, _ =	vpop (xrf2)  }
0x66: {  	v9 =	vld.idx.msk [tilespmem:v9+s18+$0x0], $0xffff;
	[tilespmem:v8+s28+$0x0] =	vst.idx.msk vm0, v15  }
0x67: {  	v8 =	vld.idx.msk [tilespmem:v49+s14+$0x0], $0xffff;
	_ =	sdelay $0x1  }
0x68: {  	v10 =	vmul.f32 v10, v4;
	v12 =	vmul.f32 v12, v5  }
0x69: {  	s23 =	sadd.s32 $0xFFFFFFEE, s20  }
0x6a: {  	v51 =	vmov s23;
	v50 =	vmul.f32 v13, v6;
	v10 =	vadd.f32 v12, v10  }
0x6b: {  	v52 =	vshll.u32 v51, $0x7;
	v8 =	vshrl.u32 v8, $0x6  }
0x6c: {  	v9 =	vmul.f32 v9, v7;
	v10 =	vadd.f32 v50, v10;
	v8 =	vand.u32 $0x40, v8  }
0x6d: {  	v8 =	vor.u32 v52, v8  }
0x6e: {  	v9 =	vadd.f32 v9, v10;
	v53 =	vor.u32 v0, v8  }
0x6f: {  	v12 =	vor.u32 v1, v8  }
0x70: {  	(xrf2) =	vadd.scan.msk.f32 $0xffff, v9  }
0x71: {  	v54 =	vor.u32 v2, v8;
	_ =	sdelay $0x1  }
0x72: {  	v8 =	vor.u32 v3, v8;
	v10 =	vld.idx.msk [tilespmem:v53+s18+$0x0], $0xffff  }
0x73: {  	v12 =	vld.idx.msk [tilespmem:v12+s18+$0x0], $0xffff;
	_ =	sdelay $0x1  }
0x74: {  	s23 =	sadd.s32 $0xFFFFFFEF, s21;
	v9 =	vld.idx.msk [tilespmem:v54+s18+$0x0], $0xffff  }
0x75: {  	v55 =	vmov s23  }
0x76: {  	v8 =	vld.idx.msk [tilespmem:v8+s18+$0x0], $0xffff  }
0x77: {  	v10 =	vmul.f32 v10, v4;
	v12 =	vmul.f32 v12, v5  }
0x78: {  	v56, _, _ =	vpop (xrf2)  }
0x79: {  	[tilespmem:v45+s28+$0x0] =	vst.idx.msk vm0, v56;
	v9 =	vmul.f32 v9, v6;
	v10 =	vadd.f32 v12, v10  }
0x7a: {  	v11 =	vld.idx.msk [tilespmem:v55+s14+$0x0], $0xffff  }
0x7b: {  	v8 =	vmul.f32 v8, v7;
	v9 =	vadd.f32 v9, v10;
	_ =	sdelay $0x1  }
0x7c: {  	v8 =	vadd.f32 v8, v9  }
0x7d: {  	s23 =	sadd.s32 $0xFFFFFFEF, s20  }
0x7e: {  	v58 =	vmov s23;
	v57 =	vshrl.u32 v11, $0x6;
	(xrf2) =	vadd.scan.msk.f32 $0xffff, v8  }
0x7f: {  	v59 =	vshll.u32 v58, $0x7;
	v9 =	vand.u32 $0x40, v57  }
0x80: {  	v60 =	vor.u32 v59, v9  }
0x81: {  	v9 =	vor.u32 v0, v60  }
0x82: {  	v11 =	vor.u32 v1, v60  }
0x83: {  	v61 =	vor.u32 v2, v60  }
0x84: {  	s23 =	sadd.s32 $0xFFFFFFF0, s21;
	v8 =	vor.u32 v3, v60  }
0x85: {  	v62 =	vmov s23  }
0x86: {  	v9 =	vld.idx.msk [tilespmem:v9+s18+$0x0], $0xffff  }
0x87: {  	v11 =	vld.idx.msk [tilespmem:v11+s18+$0x0], $0xffff  }
0x88: {  	v12 =	vld.idx.msk [tilespmem:v61+s18+$0x0], $0xffff;
	v63, _, _ =	vpop (xrf2)  }
0x89: {  	v8 =	vld.idx.msk [tilespmem:v8+s18+$0x0], $0xffff;
	[tilespmem:v51+s28+$0x0] =	vst.idx.msk vm0, v63  }
0x8a: {  	v13 =	vld.idx.msk [tilespmem:v62+s14+$0x0], $0xffff;
	_ =	sdelay $0x1  }
0x8b: {  	v9 =	vmul.f32 v9, v4;
	v11 =	vmul.f32 v11, v5  }
0x8c: {  	s23 =	sadd.s32 $0xFFFFFFF0, s20  }
0x8d: {  	v20 =	vmov s23;
	v18 =	vmul.f32 v12, v6;
	v9 =	vadd.f32 v11, v9  }
0x8e: {  	v22 =	vshll.u32 v20, $0x7;
	v19 =	vshrl.u32 v13, $0x6  }
0x8f: {  	v8 =	vmul.f32 v8, v7;
	v9 =	vadd.f32 v18, v9;
	v21 =	vand.u32 $0x40, v19  }
0x90: {  	v11 =	vor.u32 v22, v21  }
0x91: {  	v8 =	vadd.f32 v8, v9;
	v23 =	vor.u32 v0, v11  }
0x92: {  	v12 =	vor.u32 v1, v11  }
0x93: {  	(xrf2) =	vadd.scan.msk.f32 $0xffff, v8  }
0x94: {  	v24 =	vor.u32 v2, v11;
	_ =	sdelay $0x1  }
0x95: {  	v11 =	vor.u32 v3, v11;
	v9 =	vld.idx.msk [tilespmem:v23+s18+$0x0], $0xffff  }
0x96: {  	v12 =	vld.idx.msk [tilespmem:v12+s18+$0x0], $0xffff;
	_ =	sdelay $0x1  }
0x97: {  	s23 =	sadd.s32 $0xFFFFFFF1, s21;
	v8 =	vld.idx.msk [tilespmem:v24+s18+$0x0], $0xffff  }
0x98: {  	v25 =	vmov s23  }
0x99: {  	v11 =	vld.idx.msk [tilespmem:v11+s18+$0x0], $0xffff  }
0x9a: {  	v9 =	vmul.f32 v9, v4;
	v12 =	vmul.f32 v12, v5  }
0x9b: {  	v26, _, _ =	vpop (xrf2)  }
0x9c: {  	[tilespmem:v58+s28+$0x0] =	vst.idx.msk vm0, v26;
	v8 =	vmul.f32 v8, v6;
	v9 =	vadd.f32 v12, v9  }
0x9d: {  	v10 =	vld.idx.msk [tilespmem:v25+s14+$0x0], $0xffff  }
0x9e: {  	v27 =	vmul.f32 v11, v7;
	v8 =	vadd.f32 v8, v9;
	_ =	sdelay $0x1  }
0x9f: {  	v8 =	vadd.f32 v27, v8  }
0xa0: {  	s23 =	sadd.s32 $0xFFFFFFF1, s20  }
0xa1: {  	v29 =	vmov s23;
	v28 =	vshrl.u32 v10, $0x6;
	(xrf2) =	vadd.scan.msk.f32 $0xffff, v8  }
0xa2: {  	v30 =	vshll.u32 v29, $0x7;
	v9 =	vand.u32 $0x40, v28  }
0xa3: {  	v31 =	vor.u32 v30, v9  }
0xa4: {  	v9 =	vor.u32 v0, v31  }
0xa5: {  	v11 =	vor.u32 v1, v31  }
0xa6: {  	v32 =	vor.u32 v2, v31  }
0xa7: {  	s23 =	sadd.s32 $0xFFFFFFF2, s21;
	v8 =	vor.u32 v3, v31  }
0xa8: {  	v33 =	vmov s23  }
0xa9: {  	v9 =	vld.idx.msk [tilespmem:v9+s18+$0x0], $0xffff  }
0xaa: {  	v11 =	vld.idx.msk [tilespmem:v11+s18+$0x0], $0xffff  }
0xab: {  	v12 =	vld.idx.msk [tilespmem:v32+s18+$0x0], $0xffff;
	v34, _, _ =	vpop (xrf2)  }
0xac: {  	v8 =	vld.idx.msk [tilespmem:v8+s18+$0x0], $0xffff;
	[tilespmem:v20+s28+$0x0] =	vst.idx.msk vm0, v34  }
0xad: {  	v13 =	vld.idx.msk [tilespmem:v33+s14+$0x0], $0xffff;
	_ =	sdelay $0x1  }
0xae: {  	v9 =	vmul.f32 v9, v4;
	v11 =	vmul.f32 v11, v5  }
0xaf: {  	s23 =	sadd.s32 $0xFFFFFFF2, s20  }
0xb0: {  	v37 =	vmov s23;
	v35 =	vmul.f32 v12, v6;
	v9 =	vadd.f32 v11, v9  }
0xb1: {  	v39 =	vshll.u32 v37, $0x7;
	v36 =	vshrl.u32 v13, $0x6  }
0xb2: {  	v8 =	vmul.f32 v8, v7;
	v9 =	vadd.f32 v35, v9;
	v38 =	vand.u32 $0x40, v36  }
0xb3: {  	v11 =	vor.u32 v39, v38  }
0xb4: {  	v8 =	vadd.f32 v8, v9;
	v40 =	vor.u32 v0, v11  }
0xb5: {  	v12 =	vor.u32 v1, v11  }
0xb6: {  	(xrf2) =	vadd.scan.msk.f32 $0xffff, v8  }
0xb7: {  	v41 =	vor.u32 v2, v11;
	_ =	sdelay $0x1  }
0xb8: {  	v11 =	vor.u32 v3, v11;
	v9 =	vld.idx.msk [tilespmem:v40+s18+$0x0], $0xffff  }
0xb9: {  	v12 =	vld.idx.msk [tilespmem:v12+s18+$0x0], $0xffff;
	_ =	sdelay $0x1  }
0xba: {  	s23 =	sadd.s32 $0xFFFFFFF3, s21;
	v8 =	vld.idx.msk [tilespmem:v41+s18+$0x0], $0xffff  }
0xbb: {  	v42 =	vmov s23  }
0xbc: {  	v11 =	vld.idx.msk [tilespmem:v11+s18+$0x0], $0xffff  }
0xbd: {  	v9 =	vmul.f32 v9, v4;
	v12 =	vmul.f32 v12, v5  }
0xbe: {  	v43, _, _ =	vpop (xrf2)  }
0xbf: {  	[tilespmem:v29+s28+$0x0] =	vst.idx.msk vm0, v43;
	v8 =	vmul.f32 v8, v6;
	v9 =	vadd.f32 v12, v9  }
0xc0: {  	v10 =	vld.idx.msk [tilespmem:v42+s14+$0x0], $0xffff  }
0xc1: {  	v44 =	vmul.f32 v11, v7;
	v8 =	vadd.f32 v8, v9;
	_ =	sdelay $0x1  }
0xc2: {  	v8 =	vadd.f32 v44, v8  }
0xc3: {  	s23 =	sadd.s32 $0xFFFFFFF3, s20  }
0xc4: {  	v46 =	vmov s23;
	v45 =	vshrl.u32 v10, $0x6;
	(xrf2) =	vadd.scan.msk.f32 $0xffff, v8  }
0xc5: {  	v47 =	vshll.u32 v46, $0x7;
	v9 =	vand.u32 $0x40, v45  }
0xc6: {  	v48 =	vor.u32 v47, v9  }
0xc7: {  	v9 =	vor.u32 v0, v48  }
0xc8: {  	v11 =	vor.u32 v1, v48  }
0xc9: {  	v49 =	vor.u32 v2, v48  }
0xca: {  	s23 =	sadd.s32 $0xFFFFFFF4, s21;
	v8 =	vor.u32 v3, v48  }
0xcb: {  	v50 =	vmov s23  }
0xcc: {  	v9 =	vld.idx.msk [tilespmem:v9+s18+$0x0], $0xffff  }
0xcd: {  	v11 =	vld.idx.msk [tilespmem:v11+s18+$0x0], $0xffff  }
0xce: {  	v12 =	vld.idx.msk [tilespmem:v49+s18+$0x0], $0xffff;
	v51, _, _ =	vpop (xrf2)  }
0xcf: {  	v8 =	vld.idx.msk [tilespmem:v8+s18+$0x0], $0xffff;
	[tilespmem:v37+s28+$0x0] =	vst.idx.msk vm0, v51  }
0xd0: {  	v13 =	vld.idx.msk [tilespmem:v50+s14+$0x0], $0xffff;
	_ =	sdelay $0x1  }
0xd1: {  	v9 =	vmul.f32 v9, v4;
	v11 =	vmul.f32 v11, v5  }
0xd2: {  	s23 =	sadd.s32 $0xFFFFFFF4, s20  }
0xd3: {  	v54 =	vmov s23;
	v52 =	vmul.f32 v12, v6;
	v9 =	vadd.f32 v11, v9  }
0xd4: {  	v56 =	vshll.u32 v54, $0x7;
	v53 =	vshrl.u32 v13, $0x6  }
0xd5: {  	v8 =	vmul.f32 v8, v7;
	v9 =	vadd.f32 v52, v9;
	v55 =	vand.u32 $0x40, v53  }
0xd6: {  	v11 =	vor.u32 v56, v55  }
0xd7: {  	v8 =	vadd.f32 v8, v9;
	v57 =	vor.u32 v0, v11  }
0xd8: {  	v12 =	vor.u32 v1, v11  }
0xd9: {  	(xrf2) =	vadd.scan.msk.f32 $0xffff, v8  }
0xda: {  	v58 =	vor.u32 v2, v11;
	_ =	sdelay $0x1  }
0xdb: {  	v11 =	vor.u32 v3, v11;
	v9 =	vld.idx.msk [tilespmem:v57+s18+$0x0], $0xffff  }
0xdc: {  	v12 =	vld.idx.msk [tilespmem:v12+s18+$0x0], $0xffff;
	_ =	sdelay $0x1  }
0xdd: {  	s23 =	sadd.s32 $0xFFFFFFF5, s21;
	v8 =	vld.idx.msk [tilespmem:v58+s18+$0x0], $0xffff  }
0xde: {  	v59 =	vmov s23  }
0xdf: {  	v11 =	vld.idx.msk [tilespmem:v11+s18+$0x0], $0xffff  }
0xe0: {  	v9 =	vmul.f32 v9, v4;
	v12 =	vmul.f32 v12, v5  }
0xe1: {  	v60, _, _ =	vpop (xrf2)  }
0xe2: {  	[tilespmem:v46+s28+$0x0] =	vst.idx.msk vm0, v60;
	v8 =	vmul.f32 v8, v6;
	v9 =	vadd.f32 v12, v9  }
0xe3: {  	v10 =	vld.idx.msk [tilespmem:v59+s14+$0x0], $0xffff  }
0xe4: {  	v61 =	vmul.f32 v11, v7;
	v8 =	vadd.f32 v8, v9;
	_ =	sdelay $0x1  }
0xe5: {  	v8 =	vadd.f32 v61, v8  }
0xe6: {  	s23 =	sadd.s32 $0xFFFFFFF5, s20  }
0xe7: {  	v63 =	vmov s23;
	v62 =	vshrl.u32 v10, $0x6;
	(xrf2) =	vadd.scan.msk.f32 $0xffff, v8  }
0xe8: {  	v16 =	vshll.u32 v63, $0x7;
	v9 =	vand.u32 $0x40, v62  }
0xe9: {  	v17 =	vor.u32 v16, v9  }
0xea: {  	v9 =	vor.u32 v0, v17  }
0xeb: {  	v11 =	vor.u32 v1, v17  }
0xec: {  	v18 =	vor.u32 v2, v17  }
0xed: {  	s23 =	sadd.s32 $0xFFFFFFF6, s21;
	v8 =	vor.u32 v3, v17  }
0xee: {  	v19 =	vmov s23  }
0xef: {  	v9 =	vld.idx.msk [tilespmem:v9+s18+$0x0], $0xffff  }
0xf0: {  	v11 =	vld.idx.msk [tilespmem:v11+s18+$0x0], $0xffff  }
0xf1: {  	v12 =	vld.idx.msk [tilespmem:v18+s18+$0x0], $0xffff;
	v20, _, _ =	vpop (xrf2)  }
0xf2: {  	v8 =	vld.idx.msk [tilespmem:v8+s18+$0x0], $0xffff;
	[tilespmem:v54+s28+$0x0] =	vst.idx.msk vm0, v20  }
0xf3: {  	v13 =	vld.idx.msk [tilespmem:v19+s14+$0x0], $0xffff;
	_ =	sdelay $0x1  }
0xf4: {  	v9 =	vmul.f32 v9, v4;
	v11 =	vmul.f32 v11, v5  }
0xf5: {  	s23 =	sadd.s32 $0xFFFFFFF6, s20  }
0xf6: {  	v23 =	vmov s23;
	v21 =	vmul.f32 v12, v6;
	v9 =	vadd.f32 v11, v9  }
0xf7: {  	v25 =	vshll.u32 v23, $0x7;
	v22 =	vshrl.u32 v13, $0x6  }
0xf8: {  	v8 =	vmul.f32 v8, v7;
	v9 =	vadd.f32 v21, v9;
	v24 =	vand.u32 $0x40, v22  }
0xf9: {  	v11 =	vor.u32 v25, v24  }
0xfa: {  	v8 =	vadd.f32 v8, v9;
	v26 =	vor.u32 v0, v11  }
0xfb: {  	v12 =	vor.u32 v1, v11  }
0xfc: {  	(xrf2) =	vadd.scan.msk.f32 $0xffff, v8  }
0xfd: {  	v27 =	vor.u32 v2, v11;
	_ =	sdelay $0x1  }
0xfe: {  	v11 =	vor.u32 v3, v11;
	v9 =	vld.idx.msk [tilespmem:v26+s18+$0x0], $0xffff  }
0xff: {  	v12 =	vld.idx.msk [tilespmem:v12+s18+$0x0], $0xffff;
	_ =	sdelay $0x1  }
0x100: {  	s23 =	sadd.s32 $0xFFFFFFF7, s21;
	v8 =	vld.idx.msk [tilespmem:v27+s18+$0x0], $0xffff  }
0x101: {  	v28 =	vmov s23  }
0x102: {  	v11 =	vld.idx.msk [tilespmem:v11+s18+$0x0], $0xffff  }
0x103: {  	v9 =	vmul.f32 v9, v4;
	v12 =	vmul.f32 v12, v5  }
0x104: {  	v29, _, _ =	vpop (xrf2)  }
0x105: {  	[tilespmem:v63+s28+$0x0] =	vst.idx.msk vm0, v29;
	v8 =	vmul.f32 v8, v6;
	v9 =	vadd.f32 v12, v9  }
0x106: {  	v10 =	vld.idx.msk [tilespmem:v28+s14+$0x0], $0xffff  }
0x107: {  	v30 =	vmul.f32 v11, v7;
	v8 =	vadd.f32 v8, v9;
	_ =	sdelay $0x1  }
0x108: {  	v8 =	vadd.f32 v30, v8  }
0x109: {  	s23 =	sadd.s32 $0xFFFFFFF7, s20  }
0x10a: {  	v32 =	vmov s23;
	v31 =	vshrl.u32 v10, $0x6;
	(xrf2) =	vadd.scan.msk.f32 $0xffff, v8  }
0x10b: {  	v33 =	vshll.u32 v32, $0x7;
	v9 =	vand.u32 $0x40, v31  }
0x10c: {  	v34 =	vor.u32 v33, v9  }
0x10d: {  	v9 =	vor.u32 v0, v34  }
0x10e: {  	v11 =	vor.u32 v1, v34  }
0x10f: {  	v35 =	vor.u32 v2, v34  }
0x110: {  	s23 =	sadd.s32 $0xFFFFFFF8, s21;
	v8 =	vor.u32 v3, v34  }
0x111: {  	v36 =	vmov s23  }
0x112: {  	v9 =	vld.idx.msk [tilespmem:v9+s18+$0x0], $0xffff  }
0x113: {  	v11 =	vld.idx.msk [tilespmem:v11+s18+$0x0], $0xffff  }
0x114: {  	v12 =	vld.idx.msk [tilespmem:v35+s18+$0x0], $0xffff;
	v37, _, _ =	vpop (xrf2)  }
0x115: {  	v8 =	vld.idx.msk [tilespmem:v8+s18+$0x0], $0xffff;
	[tilespmem:v23+s28+$0x0] =	vst.idx.msk vm0, v37  }
0x116: {  	v13 =	vld.idx.msk [tilespmem:v36+s14+$0x0], $0xffff;
	_ =	sdelay $0x1  }
0x117: {  	v9 =	vmul.f32 v9, v4;
	v11 =	vmul.f32 v11, v5  }
0x118: {  	s23 =	sadd.s32 $0xFFFFFFF8, s20  }
0x119: {  	v40 =	vmov s23;
	v38 =	vmul.f32 v12, v6;
	v9 =	vadd.f32 v11, v9  }
0x11a: {  	v42 =	vshll.u32 v40, $0x7;
	v39 =	vshrl.u32 v13, $0x6  }
0x11b: {  	v8 =	vmul.f32 v8, v7;
	v9 =	vadd.f32 v38, v9;
	v41 =	vand.u32 $0x40, v39  }
0x11c: {  	v11 =	vor.u32 v42, v41  }
0x11d: {  	v8 =	vadd.f32 v8, v9;
	v43 =	vor.u32 v0, v11  }
0x11e: {  	v12 =	vor.u32 v1, v11  }
0x11f: {  	(xrf2) =	vadd.scan.msk.f32 $0xffff, v8  }
0x120: {  	v44 =	vor.u32 v2, v11;
	_ =	sdelay $0x1  }
0x121: {  	v11 =	vor.u32 v3, v11;
	v9 =	vld.idx.msk [tilespmem:v43+s18+$0x0], $0xffff  }
0x122: {  	v12 =	vld.idx.msk [tilespmem:v12+s18+$0x0], $0xffff;
	_ =	sdelay $0x1  }
0x123: {  	s23 =	sadd.s32 $0xFFFFFFF9, s21;
	v8 =	vld.idx.msk [tilespmem:v44+s18+$0x0], $0xffff  }
0x124: {  	v45 =	vmov s23  }
0x125: {  	v11 =	vld.idx.msk [tilespmem:v11+s18+$0x0], $0xffff  }
0x126: {  	v9 =	vmul.f32 v9, v4;
	v12 =	vmul.f32 v12, v5  }
0x127: {  	v46, _, _ =	vpop (xrf2)  }
0x128: {  	[tilespmem:v32+s28+$0x0] =	vst.idx.msk vm0, v46;
	v8 =	vmul.f32 v8, v6;
	v9 =	vadd.f32 v12, v9  }
0x129: {  	v10 =	vld.idx.msk [tilespmem:v45+s14+$0x0], $0xffff  }
0x12a: {  	v47 =	vmul.f32 v11, v7;
	v8 =	vadd.f32 v8, v9;
	_ =	sdelay $0x1  }
0x12b: {  	v8 =	vadd.f32 v47, v8  }
0x12c: {  	s23 =	sadd.s32 $0xFFFFFFF9, s20  }
0x12d: {  	v49 =	vmov s23;
	v48 =	vshrl.u32 v10, $0x6;
	(xrf2) =	vadd.scan.msk.f32 $0xffff, v8  }
0x12e: {  	v50 =	vshll.u32 v49, $0x7;
	v9 =	vand.u32 $0x40, v48  }
0x12f: {  	v51 =	vor.u32 v50, v9  }
0x130: {  	v9 =	vor.u32 v0, v51  }
0x131: {  	v11 =	vor.u32 v1, v51  }
0x132: {  	v52 =	vor.u32 v2, v51  }
0x133: {  	s23 =	sadd.s32 $0xFFFFFFFA, s21;
	v8 =	vor.u32 v3, v51  }
0x134: {  	v53 =	vmov s23  }
0x135: {  	v9 =	vld.idx.msk [tilespmem:v9+s18+$0x0], $0xffff  }
0x136: {  	v11 =	vld.idx.msk [tilespmem:v11+s18+$0x0], $0xffff  }
0x137: {  	v12 =	vld.idx.msk [tilespmem:v52+s18+$0x0], $0xffff;
	v54, _, _ =	vpop (xrf2)  }
0x138: {  	v8 =	vld.idx.msk [tilespmem:v8+s18+$0x0], $0xffff;
	[tilespmem:v40+s28+$0x0] =	vst.idx.msk vm0, v54  }
0x139: {  	v13 =	vld.idx.msk [tilespmem:v53+s14+$0x0], $0xffff;
	_ =	sdelay $0x1  }
0x13a: {  	v9 =	vmul.f32 v9, v4;
	v11 =	vmul.f32 v11, v5  }
0x13b: {  	s23 =	sadd.s32 $0xFFFFFFFA, s20  }
0x13c: {  	v57 =	vmov s23;
	v55 =	vmul.f32 v12, v6;
	v9 =	vadd.f32 v11, v9  }
0x13d: {  	v59 =	vshll.u32 v57, $0x7;
	v56 =	vshrl.u32 v13, $0x6  }
0x13e: {  	v8 =	vmul.f32 v8, v7;
	v9 =	vadd.f32 v55, v9;
	v58 =	vand.u32 $0x40, v56  }
0x13f: {  	v11 =	vor.u32 v59, v58  }
0x140: {  	v8 =	vadd.f32 v8, v9;
	v60 =	vor.u32 v0, v11  }
0x141: {  	v12 =	vor.u32 v1, v11  }
0x142: {  	(xrf2) =	vadd.scan.msk.f32 $0xffff, v8  }
0x143: {  	v61 =	vor.u32 v2, v11;
	_ =	sdelay $0x1  }
0x144: {  	v11 =	vor.u32 v3, v11;
	v9 =	vld.idx.msk [tilespmem:v60+s18+$0x0], $0xffff  }
0x145: {  	v12 =	vld.idx.msk [tilespmem:v12+s18+$0x0], $0xffff;
	_ =	sdelay $0x1  }
0x146: {  	s23 =	sadd.s32 $0xFFFFFFFB, s21;
	v8 =	vld.idx.msk [tilespmem:v61+s18+$0x0], $0xffff  }
0x147: {  	v62 =	vmov s23  }
0x148: {  	v11 =	vld.idx.msk [tilespmem:v11+s18+$0x0], $0xffff  }
0x149: {  	v9 =	vmul.f32 v9, v4;
	v12 =	vmul.f32 v12, v5  }
0x14a: {  	v63, _, _ =	vpop (xrf2)  }
0x14b: {  	[tilespmem:v49+s28+$0x0] =	vst.idx.msk vm0, v63;
	v8 =	vmul.f32 v8, v6;
	v9 =	vadd.f32 v12, v9  }
0x14c: {  	v10 =	vld.idx.msk [tilespmem:v62+s14+$0x0], $0xffff  }
0x14d: {  	v18 =	vmul.f32 v11, v7;
	v8 =	vadd.f32 v8, v9;
	_ =	sdelay $0x1  }
0x14e: {  	v8 =	vadd.f32 v18, v8  }
0x14f: {  	s23 =	sadd.s32 $0xFFFFFFFB, s20  }
0x150: {  	v20 =	vmov s23;
	v19 =	vshrl.u32 v10, $0x6;
	(xrf2) =	vadd.scan.msk.f32 $0xffff, v8  }
0x151: {  	v21 =	vshll.u32 v20, $0x7;
	v9 =	vand.u32 $0x40, v19  }
0x152: {  	v22 =	vor.u32 v21, v9  }
0x153: {  	v9 =	vor.u32 v0, v22  }
0x154: {  	v11 =	vor.u32 v1, v22  }
0x155: {  	v23 =	vor.u32 v2, v22  }
0x156: {  	s23 =	sadd.s32 $0xFFFFFFFC, s21;
	v8 =	vor.u32 v3, v22  }
0x157: {  	v24 =	vmov s23  }
0x158: {  	v9 =	vld.idx.msk [tilespmem:v9+s18+$0x0], $0xffff  }
0x159: {  	v11 =	vld.idx.msk [tilespmem:v11+s18+$0x0], $0xffff  }
0x15a: {  	v12 =	vld.idx.msk [tilespmem:v23+s18+$0x0], $0xffff;
	v25, _, _ =	vpop (xrf2)  }
0x15b: {  	v8 =	vld.idx.msk [tilespmem:v8+s18+$0x0], $0xffff;
	[tilespmem:v57+s28+$0x0] =	vst.idx.msk vm0, v25  }
0x15c: {  	v13 =	vld.idx.msk [tilespmem:v24+s14+$0x0], $0xffff;
	_ =	sdelay $0x1  }
0x15d: {  	v9 =	vmul.f32 v9, v4;
	v11 =	vmul.f32 v11, v5  }
0x15e: {  	s23 =	sadd.s32 $0xFFFFFFFC, s20  }
0x15f: {  	v28 =	vmov s23;
	v26 =	vmul.f32 v12, v6;
	v9 =	vadd.f32 v11, v9  }
0x160: {  	v30 =	vshll.u32 v28, $0x7;
	v27 =	vshrl.u32 v13, $0x6  }
0x161: {  	v8 =	vmul.f32 v8, v7;
	v9 =	vadd.f32 v26, v9;
	v29 =	vand.u32 $0x40, v27  }
0x162: {  	v11 =	vor.u32 v30, v29  }
0x163: {  	v8 =	vadd.f32 v8, v9;
	v31 =	vor.u32 v0, v11  }
0x164: {  	v12 =	vor.u32 v1, v11  }
0x165: {  	(xrf2) =	vadd.scan.msk.f32 $0xffff, v8  }
0x166: {  	v32 =	vor.u32 v2, v11;
	_ =	sdelay $0x1  }
0x167: {  	v11 =	vor.u32 v3, v11;
	v9 =	vld.idx.msk [tilespmem:v31+s18+$0x0], $0xffff  }
0x168: {  	v12 =	vld.idx.msk [tilespmem:v12+s18+$0x0], $0xffff;
	_ =	sdelay $0x1  }
0x169: {  	s23 =	sadd.s32 $0xFFFFFFFD, s21;
	v8 =	vld.idx.msk [tilespmem:v32+s18+$0x0], $0xffff  }
0x16a: {  	v33 =	vmov s23  }
0x16b: {  	v11 =	vld.idx.msk [tilespmem:v11+s18+$0x0], $0xffff  }
0x16c: {  	v9 =	vmul.f32 v9, v4;
	v12 =	vmul.f32 v12, v5  }
0x16d: {  	v34, _, _ =	vpop (xrf2)  }
0x16e: {  	[tilespmem:v20+s28+$0x0] =	vst.idx.msk vm0, v34;
	v8 =	vmul.f32 v8, v6;
	v9 =	vadd.f32 v12, v9  }
0x16f: {  	v10 =	vld.idx.msk [tilespmem:v33+s14+$0x0], $0xffff  }
0x170: {  	v35 =	vmul.f32 v11, v7;
	v8 =	vadd.f32 v8, v9;
	_ =	sdelay $0x1  }
0x171: {  	v8 =	vadd.f32 v35, v8  }
0x172: {  	s23 =	sadd.s32 $0xFFFFFFFD, s20  }
0x173: {  	v37 =	vmov s23;
	v36 =	vshrl.u32 v10, $0x6;
	(xrf2) =	vadd.scan.msk.f32 $0xffff, v8  }
0x174: {  	v38 =	vshll.u32 v37, $0x7;
	v9 =	vand.u32 $0x40, v36  }
0x175: {  	v39 =	vor.u32 v38, v9  }
0x176: {  	v9 =	vor.u32 v0, v39  }
0x177: {  	v11 =	vor.u32 v1, v39  }
0x178: {  	v40 =	vor.u32 v2, v39  }
0x179: {  	s23 =	sadd.s32 $0xFFFFFFFE, s21;
	v8 =	vor.u32 v3, v39  }
0x17a: {  	v41 =	vmov s23  }
0x17b: {  	v9 =	vld.idx.msk [tilespmem:v9+s18+$0x0], $0xffff  }
0x17c: {  	v11 =	vld.idx.msk [tilespmem:v11+s18+$0x0], $0xffff  }
0x17d: {  	v12 =	vld.idx.msk [tilespmem:v40+s18+$0x0], $0xffff;
	v42, _, _ =	vpop (xrf2)  }
0x17e: {  	v8 =	vld.idx.msk [tilespmem:v8+s18+$0x0], $0xffff;
	[tilespmem:v28+s28+$0x0] =	vst.idx.msk vm0, v42  }
0x17f: {  	v13 =	vld.idx.msk [tilespmem:v41+s14+$0x0], $0xffff;
	_ =	sdelay $0x1  }
0x180: {  	v9 =	vmul.f32 v9, v4;
	v11 =	vmul.f32 v11, v5  }
0x181: {  	s23 =	sadd.s32 $0xFFFFFFFE, s20  }
0x182: {  	v45 =	vmov s23;
	v43 =	vmul.f32 v12, v6;
	v9 =	vadd.f32 v11, v9  }
0x183: {  	v47 =	vshll.u32 v45, $0x7;
	v44 =	vshrl.u32 v13, $0x6  }
0x184: {  	v8 =	vmul.f32 v8, v7;
	v9 =	vadd.f32 v43, v9;
	v46 =	vand.u32 $0x40, v44  }
0x185: {  	v11 =	vor.u32 v47, v46  }
0x186: {  	v8 =	vadd.f32 v8, v9;
	v48 =	vor.u32 v0, v11  }
0x187: {  	v12 =	vor.u32 v1, v11  }
0x188: {  	(xrf2) =	vadd.scan.msk.f32 $0xffff, v8  }
0x189: {  	v49 =	vor.u32 v2, v11;
	_ =	sdelay $0x1  }
0x18a: {  	v11 =	vor.u32 v3, v11;
	v9 =	vld.idx.msk [tilespmem:v48+s18+$0x0], $0xffff  }
0x18b: {  	v12 =	vld.idx.msk [tilespmem:v12+s18+$0x0], $0xffff;
	_ =	sdelay $0x1  }
0x18c: {  	s23 =	sadd.s32 $0xFFFFFFFF, s21;
	v8 =	vld.idx.msk [tilespmem:v49+s18+$0x0], $0xffff  }
0x18d: {  	v50 =	vmov s23  }
0x18e: {  	v11 =	vld.idx.msk [tilespmem:v11+s18+$0x0], $0xffff  }
0x18f: {  	v9 =	vmul.f32 v9, v4;
	v12 =	vmul.f32 v12, v5  }
0x190: {  	v51, _, _ =	vpop (xrf2)  }
0x191: {  	[tilespmem:v37+s28+$0x0] =	vst.idx.msk vm0, v51;
	v8 =	vmul.f32 v8, v6;
	v9 =	vadd.f32 v12, v9  }
0x192: {  	v10 =	vld.idx.msk [tilespmem:v50+s14+$0x0], $0xffff  }
0x193: {  	v52 =	vmul.f32 v11, v7;
	v8 =	vadd.f32 v8, v9;
	_ =	sdelay $0x1  }
0x194: {  	v8 =	vadd.f32 v52, v8  }
0x195: {  	s23 =	sadd.s32 $0xFFFFFFFF, s20  }
0x196: {  	v54 =	vmov s23;
	v53 =	vshrl.u32 v10, $0x6;
	(xrf2) =	vadd.scan.msk.f32 $0xffff, v8  }
0x197: {  	v55 =	vshll.u32 v54, $0x7;
	v9 =	vand.u32 $0x40, v53  }
0x198: {  	v56 =	vor.u32 v55, v9  }
0x199: {  	v9 =	vor.u32 v0, v56  }
0x19a: {  	v11 =	vor.u32 v1, v56  }
0x19b: {  	v57 =	vor.u32 v2, v56  }
0x19c: {  	v8 =	vor.u32 v3, v56  }
0x19d: {  	v58 =	vmov s21  }
0x19e: {  	v9 =	vld.idx.msk [tilespmem:v9+s18+$0x0], $0xffff  }
0x19f: {  	v11 =	vld.idx.msk [tilespmem:v11+s18+$0x0], $0xffff  }
0x1a0: {  	v12 =	vld.idx.msk [tilespmem:v57+s18+$0x0], $0xffff;
	v59, _, _ =	vpop (xrf2)  }
0x1a1: {  	v8 =	vld.idx.msk [tilespmem:v8+s18+$0x0], $0xffff;
	[tilespmem:v45+s28+$0x0] =	vst.idx.msk vm0, v59  }
0x1a2: {  	v13 =	vld.idx.msk [tilespmem:v58+s14+$0x0], $0xffff;
	_ =	sdelay $0x4  }
0x1a3: {  	v60 =	vmov s20;
	v13 =	vshrl.u32 v13, $0x6  }
0x1a4: {  	v61 =	vshll.u32 v60, $0x7;
	v13 =	vand.u32 $0x40, v13  }
0x1a5: {  	v13 =	vor.u32 v61, v13  }
0x1a6: {  	v15 =	vor.u32 v0, v13  }
0x1a7: {  	v16 =	vor.u32 v1, v13;
	_ =	sdelay $0x1  }
0x1a8: {  	v17 =	vor.u32 v2, v13;
	_ =	sdelay $0x1  }
0x1a9: {  	v13 =	vor.u32 v3, v13;
	v15 =	vld.idx.msk [tilespmem:v15+s18+$0x0], $0xffff  }
0x1aa: {  	v16 =	vld.idx.msk [tilespmem:v16+s18+$0x0], $0xffff;
	_ =	sdelay $0x1  }
0x1ab: {  	v17 =	vld.idx.msk [tilespmem:v17+s18+$0x0], $0xffff;
	_ =	sdelay $0x1  }
0x1ac: {  	v9 =	vmul.f32 v9, v4;
	v11 =	vmul.f32 v11, v5;
	v13 =	vld.idx.msk [tilespmem:v13+s18+$0x0], $0xffff  }
0x1ad: {  	v4 =	vmul.f32 v15, v4;
	v5 =	vmul.f32 v16, v5  }
0x1ae: {  	v62 =	vmul.f32 v12, v6;
	v9 =	vadd.f32 v11, v9  }
0x1af: {  	v4 =	vadd.f32 v5, v4;
	v5 =	vmul.f32 v17, v6  }
0x1b0: {  	v8 =	vmul.f32 v8, v7;
	v63 =	vadd.f32 v62, v9  }
0x1b1: {  	v4 =	vadd.f32 v5, v4;
	v5 =	vmul.f32 v13, v7  }
0x1b2: {  	v6 =	vadd.f32 v8, v63  }
0x1b3: {  	v4 =	vadd.f32 v5, v4  }
0x1b4: {  	(xrf2) =	vadd.scan.msk.f32 $0xffff, v6  }
0x1b5: {  	(xrf2) =	vadd.scan.msk.f32 $0xffff, v4;
	_ =	sdelay $0x5  }
0x1b6: {  	p0 =	sne.s32 s20, $0x14F  }
.Ltmp0:
0x1b7: {  	_ = 	snop;
	(pc) =	sbr.rel @p0 .LBB2_3-.Ltmp0, $4  }
0x1b8: {  	_ = 	snop  }
0x1b9: {  	v4, _, _ =	vpop (xrf2)  }
0x1ba: {  	[tilespmem:v54+s28+$0x0] =	vst.idx.msk vm0, v4;
	v4, _, _ =	vpop (xrf2)  }
0x1bb: {  	s19 =	sadd.s32 $0x1, s19;
	s20 =	sadd.s32 $0x15, s20;
	[tilespmem:v60+s28+$0x0] =	vst.idx.msk vm0, v4  }
0x1bc: {  	s0 =	sadd.s32 s6, s0  }
0x1bd: {  	s0 =	smul.u32 $0x15, s0  }
0x1be: {  	s1 =	sadd.s32 $0x1, s1  }
0x1bf: {  	p0 =	sne.s32 s1, $0x20;
	s0 =	sshrl.u32 s0, $0x3  }
.Ltmp1:
0x1c0: {  	s0 =	sadd.s32 s5, s0;
	(pc) =	sbr.rel @p0 .LBB2_2-.Ltmp1, $4  }
0x1c1: {  	[hbm4b:s0+s2] =	stream.linear.scatter [tilespmem:s28], [sflag:$0x3], $0x150, $0x38;
	[tilespmem:$0x1B980] =	vst v63  }
0x1c2: {  	_ =	swait.ge [sflag:s12], $0x150  }
0x1c3: {  	[sflag:s12] =	ssyncset.done $0x0  }
0x1c4: {  	s31 =	sadd.s32 $0x150, s31;
	s30 =	sadd.s32 $0x10, s30;
	[sflag:s12] =	ssyncadd.s32 $0xFFFFFEB0  }
0x1c5: {  	s29 =	sadd.s32 $0x1, s29  }
0x1c6: {  	p0 =	sne.s32 s29, s11  }
.Ltmp2:
0x1c7: {  	_ = 	snop;
	(pc) =	sbr.rel @p0 .LBB2_1-.Ltmp2, $1  }
0x1c8: {  	_ =	sdelay $0x3  }
0x1c9: {  	_ =	sfence.sel $0x180000  }
0x1ca: {  	[bflag:$0x0] =	sbarrier.arrive $0xFFFF  }
0x1cb: {  	_ =	strace $0x90000047  }
0x1cc: {  	s0 =	stileid.u32;
	[bflag:$0x2] =	sbarrier.arrive $0xFFFF  }
0x1cd: {  	p0 =	sne.s32 s0, $0x0;
	s0 =	rddreg [dreg:$0x2]  }
0x1ce: {  	s0 =	sadd.s32 @!p0 $0x100000, s0  }
0x1cf: {  	[sflag:s0] =	ssyncadd.tile.s32 @!p0 $0x1;
	_ =	shalt  }
.Lfunc_end2:
_tile_overlayer_lowered:
.L_overlay_start_2:
0x1d0: {  	(tag) =	ssettag $0x2  }
0x1d1: {  	s0 =	rddreg [dreg:$0x0];
	s2 =	stileid.u32  }
0x1d2: {  	s1 =	rddreg [dreg:$0x1];
	p0 =	sne.s32 s2, $0x0  }
0x1d3: {  	s3 =	rddreg [dreg:$0x2];
	[bflag:$0x3] =	sbarrier.arrive $0xFFFF;
	s2 =	simm.s32 @!p0 $0x1C03  }
0x1d4: {  	[timem:s3], [sflag:s2] =	dma.local @!p0 [hbm:s0], s1  }
0x1d5: {  	s0 =	simm.s32 @!p0 $0x3  }
0x1d6: {  	_ =	swait.ge @!p0 [sflag:s0], s1  }
0x1d7: {  	s1 =	ssub.s32 @!p0 $0x0, s1;
	[sflag:s0] =	ssyncset.done @!p0 $0x0  }
0x1d8: {  	[sflag:s0] =	ssyncadd.s32 @!p0 s1  }
0x1d9: {  	[bflag:$0x3] =	sbarrier.arrive $0xFFFF  }
0x1da: {  	_ =	shalt  }

</sc_bundles>
